<compile_context>
chip_gen: v7x
topology: tpu7x:2x2x1
jax: 0.10.2.dev20260603
libtpu: 0.0.44.dev20260713+nightly
codegen_flags: <defaults>
</compile_context>

<pallas_src>
import jax
import jax.numpy as jnp
from jax.experimental import pallas as pl

B = 32
INPUT_DIM = 128
EMBED_DIM = 32
N_ACTIONS = 4
CAPACITY = 250000
P = 50
DELTA = 1e-3

CB = 2048
CHUNK = 128
NBLK = (CAPACITY + CB - 1) // CB
CPAD = NBLK * CB
NCHUNK = CPAD // CHUNK


def _encoder_body(x_ref, w1_ref, b1_ref, w2_ref, b2_ref, q_ref, qsq_ref):
    h = jax.nn.relu(jnp.dot(x_ref[...], w1_ref[...]) + b1_ref[...])
    q = jax.nn.relu(jnp.dot(h, w2_ref[...]) + b2_ref[...])
    q_ref[...] = q
    qsq_ref[...] = jnp.sum(q * q, axis=1, keepdims=True)


def _scores_body(q_ref, qsq_ref, keys_ref, out_ref, cmax_ref):
    nb = pl.program_id(1)
    k = keys_ref[0]
    dots = jax.lax.dot_general(
        q_ref[...], k, (((1,), (1,)), ((), ())))
    k_sq = jnp.sum(k * k, axis=1)
    dist = qsq_ref[...] + k_sq[None, :] - 2.0 * dots
    scores = 1.0 / (dist + DELTA)
    col = nb * CB + jax.lax.broadcasted_iota(jnp.int32, scores.shape, 1)
    scores = jnp.where(col < CAPACITY, scores, -jnp.inf)
    out_ref[0] = scores
    cmax_ref[0, 0] = jnp.max(scores.reshape(B, CB // CHUNK, CHUNK), axis=2)


def _select_body(x_ref, vals_ref, idx_ref):
    rows, n = x_ref.shape
    iota = jax.lax.broadcasted_iota(jnp.int32, (rows, n), 1)
    piota = jax.lax.broadcasted_iota(jnp.int32, (rows, P), 1)

    def step(i, carry):
        x, vals, idx = carry
        m = jnp.max(x, axis=1, keepdims=True)
        im = jnp.min(jnp.where(x == m, iota, n), axis=1, keepdims=True)
        vals = jnp.where(piota == i, m, vals)
        idx = jnp.where(piota == i, im, idx)
        return jnp.where(iota == im, -jnp.inf, x), vals, idx

    _, vals, idx = jax.lax.fori_loop(
        0, P, step,
        (x_ref[...], jnp.zeros((rows, P), jnp.float32),
         jnp.zeros((rows, P), jnp.int32)))
    vals_ref[...] = vals
    idx_ref[...] = idx


def _topk(x):
    rows = x.shape[0]
    return pl.pallas_call(
        _select_body,
        out_shape=(
            jax.ShapeDtypeStruct((rows, P), jnp.float32),
            jax.ShapeDtypeStruct((rows, P), jnp.int32),
        ),
    )(x)


def kernel(x, W1, b1, W2, b2, dnd_keys, dnd_values):
    q, q_sq = pl.pallas_call(
        _encoder_body,
        out_shape=(
            jax.ShapeDtypeStruct((B, EMBED_DIM), jnp.float32),
            jax.ShapeDtypeStruct((B, 1), jnp.float32),
        ),
    )(x, W1, b1.reshape(1, EMBED_DIM), W2, b2.reshape(1, EMBED_DIM))

    scores_all, cmax = pl.pallas_call(
        _scores_body,
        grid=(N_ACTIONS, NBLK),
        in_specs=[
            pl.BlockSpec((B, EMBED_DIM), lambda a, nb: (0, 0)),
            pl.BlockSpec((B, 1), lambda a, nb: (0, 0)),
            pl.BlockSpec((1, CB, EMBED_DIM), lambda a, nb: (a, nb, 0)),
        ],
        out_specs=(
            pl.BlockSpec((1, B, CB), lambda a, nb: (a, 0, nb)),
            pl.BlockSpec((1, 1, B, CB // CHUNK), lambda a, nb: (a, nb, 0, 0)),
        ),
        out_shape=(
            jax.ShapeDtypeStruct((N_ACTIONS, B, CPAD), jnp.float32),
            jax.ShapeDtypeStruct((N_ACTIONS, NBLK, B, CB // CHUNK), jnp.float32),
        ),
    )(q, q_sq, dnd_keys)
    cmax = cmax.transpose(0, 2, 1, 3).reshape(N_ACTIONS, B, NCHUNK)

    _, chunk_ids = _topk(cmax.reshape(N_ACTIONS * B, NCHUNK))
    chunk_ids = jnp.sort(chunk_ids, axis=-1)
    chunk_ids = chunk_ids.reshape(N_ACTIONS, B, P)
    scores_4d = scores_all.reshape(N_ACTIONS, B, NCHUNK, CHUNK)
    cand = jnp.take_along_axis(scores_4d, chunk_ids[..., None], axis=2)
    cscores, cpos = _topk(cand.reshape(N_ACTIONS * B, P * CHUNK))
    cscores = cscores.reshape(N_ACTIONS, B, P)
    cpos = cpos.reshape(N_ACTIONS, B, P)
    chunk_of = jnp.take_along_axis(chunk_ids, cpos // CHUNK, axis=-1)
    idx_ab = chunk_of * CHUNK + cpos % CHUNK

    scores = cscores.transpose(1, 0, 2)
    indexes = idx_ab.transpose(1, 0, 2)
    neigh_v = jnp.take_along_axis(
        dnd_values[:, None, :], idx_ab, axis=2).transpose(1, 0, 2)
    w = scores / jnp.sum(scores, axis=-1, keepdims=True)
    q_vals = jnp.sum(w * neigh_v, axis=-1)
    values = jnp.max(q_vals, axis=-1)
    actions = jnp.argmax(q_vals, axis=-1)
    return (values, actions, indexes, scores, q)

# --- scband reference (transcript-rebuilt; emitter-appended) ---
"""Pipeline reference for scband-necnetwork-29867202576934 (READ-ONLY COPY).

The authoritative reference and input builder live on the scoring server;
editing this copy changes nothing except your own understanding.
"""

import jax, jax.numpy as jnp
import numpy as np

B = 32
INPUT_DIM = 128
EMBED_DIM = 32
N_ACTIONS = 4
CAPACITY = 250000
P = 50
DELTA = 1e-3


def setup_inputs(seed: int = 0) -> dict:
    key = jax.random.key(seed)
    k0, k1, k2, k3, k4 = jax.random.split(key, 5)
    x = jax.random.normal(k0, (B, INPUT_DIM), dtype=jnp.float32)
    W1 = jax.random.normal(k1, (INPUT_DIM, EMBED_DIM), dtype=jnp.float32) * (1.0 / np.sqrt(INPUT_DIM))
    b1 = jnp.zeros((EMBED_DIM,), dtype=jnp.float32)
    W2 = jax.random.normal(k2, (EMBED_DIM, EMBED_DIM), dtype=jnp.float32) * (1.0 / np.sqrt(EMBED_DIM))
    b2 = jnp.zeros((EMBED_DIM,), dtype=jnp.float32)
    dnd_keys = jax.random.normal(k3, (N_ACTIONS, CAPACITY, EMBED_DIM), dtype=jnp.float32)
    dnd_values = jax.random.normal(k4, (N_ACTIONS, CAPACITY), dtype=jnp.float32)
    return {"x": x, "W1": W1, "b1": b1, "W2": W2, "b2": b2,
            "dnd_keys": dnd_keys, "dnd_values": dnd_values}


def reference(x, W1, b1, W2, b2, dnd_keys, dnd_values):
    # Encoder: Linear -> ReLU -> Linear -> ReLU
    h = jax.nn.relu(x @ W1 + b1)
    q = jax.nn.relu(h @ W2 + b2)  # [B, EMBED_DIM] query keys
    # DND lookup per action: inverse-distance kernel k(q, k_i) = 1 / (||q - k_i||^2 + delta)
    q_sq = jnp.sum(q * q, axis=-1)                    # [B]
    k_sq = jnp.sum(dnd_keys * dnd_keys, axis=-1)      # [A, C]
    dots = jnp.einsum('bd,acd->bac', q, dnd_keys)     # [B, A, C]
    dist = q_sq[:, None, None] + k_sq[None, :, :] - 2.0 * dots
    kernel = 1.0 / (dist + DELTA)                     # [B, A, C]
    # p-nearest neighbors per (query, action)
    scores, indexes = jax.lax.top_k(kernel, P)        # [B, A, P]
    # gather stored values at neighbor indexes
    neigh_v = dnd_values[jnp.arange(N_ACTIONS)[None, :, None], indexes]  # [B, A, P]
    # kernel-weighted average -> Q(s, a)
    w = scores / jnp.sum(scores, axis=-1, keepdims=True)
    q_vals = jnp.sum(w * neigh_v, axis=-1)            # [B, A]
    values = jnp.max(q_vals, axis=-1)                 # [B] (return_all_values=False)
    actions = jnp.argmax(q_vals, axis=-1)             # [B]
    return (values, actions, indexes, scores, q)

if __name__ == "__main__":
    import jax
    _d = setup_inputs()
    print(jax.jit(kernel)(*tuple(_d.values())))

</pallas_src>

<mosaic_0001>
module attributes {stable_mosaic.version = 14 : i64} {
  func.func @_scores_body(%arg0: i32, %arg1: i32, %arg2: memref<32x32xf32, #tpu.memory_space<vmem>>, %arg3: memref<32x1xf32, #tpu.memory_space<vmem>>, %arg4: memref<1x2048x32xf32, #tpu.memory_space<vmem>>, %arg5: memref<1x32x2048xf32, #tpu.memory_space<vmem>>, %arg6: memref<1x1x32x16xf32, #tpu.memory_space<vmem>>) attributes {dimension_semantics = [#tpu.dimension_semantics<arbitrary>, #tpu.dimension_semantics<arbitrary>], iteration_bounds = array<i64: 4, 123>, scalar_prefetch = 0 : i64, scratch_operands = 0 : i64, tpu.core_type = #tpu.core_type<tc>, window_params = [{pipeline_mode = #tpu.pipeline_mode<synchronous>, transform_indices = @transform_0, window_bounds = array<i64: 32, 32>}, {pipeline_mode = #tpu.pipeline_mode<synchronous>, transform_indices = @transform_1, window_bounds = array<i64: 32, 1>}, {transform_indices = @transform_2, window_bounds = array<i64: 1, 2048, 32>}, {transform_indices = @transform_3, window_bounds = array<i64: 1, 32, 2048>}, {transform_indices = @transform_4, window_bounds = array<i64: 1, 1, 32, 16>}]} {
    %get3A = arith.constant 0 : index
    %get3A_0 = arith.constant 0 : index
    %get3A_1 = arith.constant 0 : index
    %get3A_2 = vector.load %arg4[%get3A, %get3A_0, %get3A_1] : memref<1x2048x32xf32, #tpu.memory_space<vmem>>, vector<1x2048x32xf32>
    %get3A_3 = vector.shape_cast %get3A_2 : vector<1x2048x32xf32> to vector<2048x32xf32>
    %get3A_4 = arith.constant 0 : index
    %get3A_5 = arith.constant 0 : index
    %get3A_6 = vector.load %arg2[%get3A_4, %get3A_5] : memref<32x32xf32, #tpu.memory_space<vmem>>, vector<32x32xf32>
    %dot_general3A = arith.constant dense<0.000000e+00> : vector<32x2048xf32>
    %dot_general3A_7 = tpu.matmul %get3A_6, %get3A_3, %dot_general3A {dimension_numbers = #tpu.dot_dimension_numbers<[1], [1], [0], [0], [0, 0, 1, 0], [], []>, transpose_lhs_hint = false} : vector<32x32xf32>, vector<2048x32xf32>, vector<32x2048xf32> -> vector<32x2048xf32>
    %mul3A = arith.mulf %get3A_3, %get3A_3 : vector<2048x32xf32>
    %reduce_sum3A = arith.constant dense<0.000000e+00> : vector<2048xf32>
    %reduce_sum3A_8 = vector.multi_reduction <add>, %mul3A, %reduce_sum3A [1] : vector<2048x32xf32> to vector<2048xf32>
    %get3A_9 = arith.constant 0 : index
    %get3A_10 = arith.constant 0 : index
    %get3A_11 = vector.load %arg3[%get3A_9, %get3A_10] : memref<32x1xf32, #tpu.memory_space<vmem>>, vector<32x1xf32>
    %broadcast_in_dim3A = vector.shape_cast %reduce_sum3A_8 : vector<2048xf32> to vector<1x2048xf32>
    %add3A = vector.broadcast %get3A_11 : vector<32x1xf32> to vector<32x2048xf32>
    %add3A_12 = vector.broadcast %broadcast_in_dim3A : vector<1x2048xf32> to vector<32x2048xf32>
    %add3A_13 = arith.addf %add3A, %add3A_12 : vector<32x2048xf32>
    %mul3A_14 = arith.constant 2.000000e+00 : f32
    %mul3A_15 = vector.broadcast %mul3A_14 : f32 to vector<32x2048xf32>
    %mul3A_16 = arith.mulf %mul3A_15, %dot_general3A_7 : vector<32x2048xf32>
    %sub3A = arith.subf %add3A_13, %mul3A_16 : vector<32x2048xf32>
    %add3A_17 = arith.constant 1.000000e-03 : f32
    %add3A_18 = vector.broadcast %add3A_17 : f32 to vector<32x2048xf32>
    %add3A_19 = arith.addf %sub3A, %add3A_18 : vector<32x2048xf32>
    %div3A = arith.constant 1.000000e+00 : f32
    %div3A_20 = vector.broadcast %div3A : f32 to vector<32x2048xf32>
    %div3A_21 = arith.divf %div3A_20, %add3A_19 : vector<32x2048xf32>
    %mul3A_22 = arith.constant 2048 : i32
    %mul3A_23 = arith.muli %arg1, %mul3A_22 : i32
    %iota3A = tpu.iota {dimensions = array<i32: 1>} : vector<32x2048xi32>
    %add3A_24 = vector.broadcast %mul3A_23 : i32 to vector<32x2048xi32>
    %add3A_25 = arith.addi %add3A_24, %iota3A : vector<32x2048xi32>
    %lt3A = arith.constant 250000 : i32
    %lt3A_26 = vector.broadcast %lt3A : i32 to vector<32x2048xi32>
    %lt3A_27 = arith.cmpi slt, %add3A_25, %lt3A_26 : vector<32x2048xi32>
    %jit3A = arith.constant 0xFF800000 : f32
    %broadcast_in_dim3A_28 = vector.broadcast %jit3A : f32 to vector<32x2048xf32>
    %select_n3A = arith.select %lt3A_27, %div3A_21, %broadcast_in_dim3A_28 : vector<32x2048xi1>, vector<32x2048xf32>
    %swap3A = arith.constant 0 : index
    %swap3A_29 = arith.constant 0 : index
    %swap3A_30 = arith.constant 0 : index
    %swap3A_31 = vector.load %arg5[%swap3A, %swap3A_29, %swap3A_30] : memref<1x32x2048xf32, #tpu.memory_space<vmem>>, vector<1x32x2048xf32>
    %swap3A_32 = vector.shape_cast %swap3A_31 : vector<1x32x2048xf32> to vector<32x2048xf32>
    %swap3A_33 = vector.shape_cast %select_n3A : vector<32x2048xf32> to vector<1x32x2048xf32>
    tpu.vector_store %arg5[%swap3A, %swap3A_29, %swap3A_30], %swap3A_33 {strides = array<i32>} : memref<1x32x2048xf32, #tpu.memory_space<vmem>>, vector<1x32x2048xf32>,
    %reshape3A = vector.shape_cast %select_n3A : vector<32x2048xf32> to vector<32x16x128xf32>
    %reduce_max3A = arith.constant dense<0xFF800000> : vector<32x16xf32>
    %reduce_max3A_34 = vector.multi_reduction <maximumf>, %reshape3A, %reduce_max3A [2] : vector<32x16x128xf32> to vector<32x16xf32>
    %swap3A_35 = arith.constant 0 : index
    %swap3A_36 = arith.constant 0 : index
    %swap3A_37 = arith.constant 0 : index
    %swap3A_38 = arith.constant 0 : index
    %swap3A_39 = vector.load %arg6[%swap3A_35, %swap3A_36, %swap3A_37, %swap3A_38] : memref<1x1x32x16xf32, #tpu.memory_space<vmem>>, vector<1x1x32x16xf32>
    %swap3A_40 = vector.shape_cast %swap3A_39 : vector<1x1x32x16xf32> to vector<32x16xf32>
    %swap3A_41 = vector.shape_cast %reduce_max3A_34 : vector<32x16xf32> to vector<1x1x32x16xf32>
    tpu.vector_store %arg6[%swap3A_35, %swap3A_36, %swap3A_37, %swap3A_38], %swap3A_41 {strides = array<i32>} : memref<1x1x32x16xf32, #tpu.memory_space<vmem>>, vector<1x1x32x16xf32>,
    return
  }
  func.func @transform_0(%arg0: i32, %arg1: i32) -> (i32, i32) {
    %c0_i32 = arith.constant 0 : i32
    %c0_i32_0 = arith.constant 0 : i32
    %c0_i32_1 = arith.constant 0 : i32
    return %c0_i32, %c0_i32_0 : i32, i32
  }
  func.func @transform_1(%arg0: i32, %arg1: i32) -> (i32, i32) {
    %c0_i32 = arith.constant 0 : i32
    %c0_i32_0 = arith.constant 0 : i32
    %c0_i32_1 = arith.constant 0 : i32
    return %c0_i32, %c0_i32_0 : i32, i32
  }
  func.func @transform_2(%arg0: i32, %arg1: i32) -> (i32, i32, i32) {
    %c0_i32 = arith.constant 0 : i32
    %c0_i32_0 = arith.constant 0 : i32
    return %arg0, %arg1, %c0_i32 : i32, i32, i32
  }
  func.func @transform_3(%arg0: i32, %arg1: i32) -> (i32, i32, i32) {
    %c0_i32 = arith.constant 0 : i32
    %c0_i32_0 = arith.constant 0 : i32
    return %arg0, %c0_i32, %arg1 : i32, i32, i32
  }
  func.func @transform_4(%arg0: i32, %arg1: i32) -> (i32, i32, i32, i32) {
    %c0_i32 = arith.constant 0 : i32
    %c0_i32_0 = arith.constant 0 : i32
    %c0_i32_1 = arith.constant 0 : i32
    return %arg0, %arg1, %c0_i32, %c0_i32_0 : i32, i32, i32, i32
  }
}

module attributes {stable_mosaic.version = 14 : i64} {
  func.func @_encoder_body(%arg0: memref<32x128xf32, #tpu.memory_space<vmem>>, %arg1: memref<128x32xf32, #tpu.memory_space<vmem>>, %arg2: memref<1x32xf32, #tpu.memory_space<vmem>>, %arg3: memref<32x32xf32, #tpu.memory_space<vmem>>, %arg4: memref<1x32xf32, #tpu.memory_space<vmem>>, %arg5: memref<32x32xf32, #tpu.memory_space<vmem>>, %arg6: memref<32x1xf32, #tpu.memory_space<vmem>>) attributes {dimension_semantics = [], scalar_prefetch = 0 : i64, scratch_operands = 0 : i64, tpu.core_type = #tpu.core_type<tc>} {
    %get3A = arith.constant 0 : index
    %get3A_0 = arith.constant 0 : index
    %get3A_1 = vector.load %arg0[%get3A, %get3A_0] : memref<32x128xf32, #tpu.memory_space<vmem>>, vector<32x128xf32>
    %get3A_2 = arith.constant 0 : index
    %get3A_3 = arith.constant 0 : index
    %get3A_4 = vector.load %arg1[%get3A_2, %get3A_3] : memref<128x32xf32, #tpu.memory_space<vmem>>, vector<128x32xf32>
    %dot_general3A = arith.constant dense<0.000000e+00> : vector<32x32xf32>
    %dot_general3A_5 = tpu.matmul %get3A_1, %get3A_4, %dot_general3A {dimension_numbers = #tpu.dot_dimension_numbers<[1], [0], [0], [1], [0, 0, 1, 1], [], []>, transpose_lhs_hint = false} : vector<32x128xf32>, vector<128x32xf32>, vector<32x32xf32> -> vector<32x32xf32>
    %get3A_6 = arith.constant 0 : index
    %get3A_7 = arith.constant 0 : index
    %get3A_8 = vector.load %arg2[%get3A_6, %get3A_7] : memref<1x32xf32, #tpu.memory_space<vmem>>, vector<1x32xf32>
    %add3A = vector.broadcast %get3A_8 : vector<1x32xf32> to vector<32x32xf32>
    %add3A_9 = arith.addf %dot_general3A_5, %add3A : vector<32x32xf32>
    %max3A = arith.constant 0.000000e+00 : f32
    %max3A_10 = vector.broadcast %max3A : f32 to vector<32x32xf32>
    %max3A_11 = arith.maximumf %add3A_9, %max3A_10 : vector<32x32xf32>
    %get3A_12 = arith.constant 0 : index
    %get3A_13 = arith.constant 0 : index
    %get3A_14 = vector.load %arg3[%get3A_12, %get3A_13] : memref<32x32xf32, #tpu.memory_space<vmem>>, vector<32x32xf32>
    %dot_general3A_15 = arith.constant dense<0.000000e+00> : vector<32x32xf32>
    %dot_general3A_16 = tpu.matmul %max3A_11, %get3A_14, %dot_general3A_15 {dimension_numbers = #tpu.dot_dimension_numbers<[1], [0], [0], [1], [0, 0, 1, 1], [], []>, transpose_lhs_hint = false} : vector<32x32xf32>, vector<32x32xf32>, vector<32x32xf32> -> vector<32x32xf32>
    %get3A_17 = arith.constant 0 : index
    %get3A_18 = arith.constant 0 : index
    %get3A_19 = vector.load %arg4[%get3A_17, %get3A_18] : memref<1x32xf32, #tpu.memory_space<vmem>>, vector<1x32xf32>
    %add3A_20 = vector.broadcast %get3A_19 : vector<1x32xf32> to vector<32x32xf32>
    %add3A_21 = arith.addf %dot_general3A_16, %add3A_20 : vector<32x32xf32>
    %max3A_22 = arith.constant 0.000000e+00 : f32
    %max3A_23 = vector.broadcast %max3A_22 : f32 to vector<32x32xf32>
    %max3A_24 = arith.maximumf %add3A_21, %max3A_23 : vector<32x32xf32>
    %swap3A = arith.constant 0 : index
    %swap3A_25 = arith.constant 0 : index
    %swap3A_26 = vector.load %arg5[%swap3A, %swap3A_25] : memref<32x32xf32, #tpu.memory_space<vmem>>, vector<32x32xf32>
    tpu.vector_store %arg5[%swap3A, %swap3A_25], %max3A_24 {strides = array<i32>} : memref<32x32xf32, #tpu.memory_space<vmem>>, vector<32x32xf32>,
    %mul3A = arith.mulf %max3A_24, %max3A_24 : vector<32x32xf32>
    %reduce_sum3A = arith.constant dense<0.000000e+00> : vector<32xf32>
    %reduce_sum3A_27 = vector.multi_reduction <add>, %mul3A, %reduce_sum3A [1] : vector<32x32xf32> to vector<32xf32>
    %broadcast_in_dim3A = vector.shape_cast %reduce_sum3A_27 : vector<32xf32> to vector<32x1xf32>
    %swap3A_28 = arith.constant 0 : index
    %swap3A_29 = arith.constant 0 : index
    %swap3A_30 = vector.load %arg6[%swap3A_28, %swap3A_29] : memref<32x1xf32, #tpu.memory_space<vmem>>, vector<32x1xf32>
    tpu.vector_store %arg6[%swap3A_28, %swap3A_29], %broadcast_in_dim3A {strides = array<i32>} : memref<32x1xf32, #tpu.memory_space<vmem>>, vector<32x1xf32>,
    return
  }
}

module attributes {stable_mosaic.version = 14 : i64} {
  func.func @_select_body(%arg0: memref<128x1968xf32, #tpu.memory_space<vmem>>, %arg1: memref<128x50xf32, #tpu.memory_space<vmem>>, %arg2: memref<128x50xi32, #tpu.memory_space<vmem>>) attributes {dimension_semantics = [], scalar_prefetch = 0 : i64, scratch_operands = 0 : i64, tpu.core_type = #tpu.core_type<tc>} {
    %iota3A = tpu.iota {dimensions = array<i32: 1>} : vector<128x1968xi32>
    %iota3A_0 = tpu.iota {dimensions = array<i32: 1>} : vector<128x50xi32>
    %get3A = arith.constant 0 : index
    %get3A_1 = arith.constant 0 : index
    %get3A_2 = vector.load %arg0[%get3A, %get3A_1] : memref<128x1968xf32, #tpu.memory_space<vmem>>, vector<128x1968xf32>
    %broadcast_in_dim3A = arith.constant 0.000000e+00 : f32
    %broadcast_in_dim3A_3 = vector.broadcast %broadcast_in_dim3A : f32 to vector<128x50xf32>
    %broadcast_in_dim3A_4 = arith.constant 0 : i32
    %broadcast_in_dim3A_5 = vector.broadcast %broadcast_in_dim3A_4 : i32 to vector<128x50xi32>
    %scan3A = arith.constant 0 : i32
    %scan3A_6 = arith.constant 50 : i32
    %scan3A_7 = arith.addi %scan3A, %scan3A_6 : i32
    %scan3A_8 = arith.constant 1 : i32
    %scan3A_9:3 = scf.for %scan3A_16 = %scan3A to %scan3A_7 step %scan3A_8 iter_args(%scan3A_17 = %get3A_2, %scan3A_18 = %broadcast_in_dim3A_3, %scan3A_19 = %broadcast_in_dim3A_5) -> (vector<128x1968xf32>, vector<128x50xf32>, vector<128x50xi32>)  : i32 {
      %reduce_max3A = arith.constant dense<0xFF800000> : vector<128xf32>
      %reduce_max3A_20 = vector.multi_reduction <maximumf>, %scan3A_17, %reduce_max3A [1] : vector<128x1968xf32> to vector<128xf32>
      %broadcast_in_dim3A_21 = vector.shape_cast %reduce_max3A_20 : vector<128xf32> to vector<128x1xf32>
      %eq3A = vector.broadcast %broadcast_in_dim3A_21 : vector<128x1xf32> to vector<128x1968xf32>
      %eq3A_22 = arith.cmpf oeq, %scan3A_17, %eq3A : vector<128x1968xf32>
      %jit3A = arith.constant 1968 : i32
      %broadcast_in_dim3A_23 = vector.broadcast %jit3A : i32 to vector<128x1968xi32>
      %select_n3A = arith.select %eq3A_22, %iota3A, %broadcast_in_dim3A_23 : vector<128x1968xi1>, vector<128x1968xi32>
      %reduce_min3A = arith.constant dense<2147483647> : vector<128xi32>
      %reduce_min3A_24 = vector.multi_reduction <minsi>, %select_n3A, %reduce_min3A [1] : vector<128x1968xi32> to vector<128xi32>
      %broadcast_in_dim3A_25 = vector.shape_cast %reduce_min3A_24 : vector<128xi32> to vector<128x1xi32>
      %eq3A_26 = vector.broadcast %scan3A_16 : i32 to vector<128x50xi32>
      %eq3A_27 = arith.cmpi eq, %iota3A_0, %eq3A_26 : vector<128x50xi32>
      %broadcast_in_dim3A_28 = vector.shape_cast %broadcast_in_dim3A_21 : vector<128x1xf32> to vector<128x1xf32>
      %broadcast_in_dim3A_29 = vector.broadcast %broadcast_in_dim3A_28 : vector<128x1xf32> to vector<128x50xf32>
      %select_n3A_30 = arith.select %eq3A_27, %broadcast_in_dim3A_29, %scan3A_18 : vector<128x50xi1>, vector<128x50xf32>
      %eq3A_31 = vector.broadcast %scan3A_16 : i32 to vector<128x50xi32>
      %eq3A_32 = arith.cmpi eq, %iota3A_0, %eq3A_31 : vector<128x50xi32>
      %broadcast_in_dim3A_33 = vector.shape_cast %broadcast_in_dim3A_25 : vector<128x1xi32> to vector<128x1xi32>
      %broadcast_in_dim3A_34 = vector.broadcast %broadcast_in_dim3A_33 : vector<128x1xi32> to vector<128x50xi32>
      %select_n3A_35 = arith.select %eq3A_32, %broadcast_in_dim3A_34, %scan3A_19 : vector<128x50xi1>, vector<128x50xi32>
      %eq3A_36 = vector.broadcast %broadcast_in_dim3A_25 : vector<128x1xi32> to vector<128x1968xi32>
      %eq3A_37 = arith.cmpi eq, %iota3A, %eq3A_36 : vector<128x1968xi32>
      %jit3A_38 = arith.constant 0xFF800000 : f32
      %broadcast_in_dim3A_39 = vector.broadcast %jit3A_38 : f32 to vector<128x1968xf32>
      %select_n3A_40 = arith.select %eq3A_37, %broadcast_in_dim3A_39, %scan3A_17 : vector<128x1968xi1>, vector<128x1968xf32>
      scf.yield %select_n3A_40, %select_n3A_30, %select_n3A_35 : vector<128x1968xf32>, vector<128x50xf32>, vector<128x50xi32>
    }
    %scan3A_10 = arith.constant 50 : i32
    %swap3A = arith.constant 0 : index
    %swap3A_11 = arith.constant 0 : index
    %swap3A_12 = vector.load %arg1[%swap3A, %swap3A_11] : memref<128x50xf32, #tpu.memory_space<vmem>>, vector<128x50xf32>
    tpu.vector_store %arg1[%swap3A, %swap3A_11], %scan3A_9#1 {strides = array<i32>} : memref<128x50xf32, #tpu.memory_space<vmem>>, vector<128x50xf32>,
    %swap3A_13 = arith.constant 0 : index
    %swap3A_14 = arith.constant 0 : index
    %swap3A_15 = vector.load %arg2[%swap3A_13, %swap3A_14] : memref<128x50xi32, #tpu.memory_space<vmem>>, vector<128x50xi32>
    tpu.vector_store %arg2[%swap3A_13, %swap3A_14], %scan3A_9#2 {strides = array<i32>} : memref<128x50xi32, #tpu.memory_space<vmem>>, vector<128x50xi32>,
    return
  }
}

module attributes {stable_mosaic.version = 14 : i64} {
  func.func @_select_body(%arg0: memref<128x6400xf32, #tpu.memory_space<vmem>>, %arg1: memref<128x50xf32, #tpu.memory_space<vmem>>, %arg2: memref<128x50xi32, #tpu.memory_space<vmem>>) attributes {dimension_semantics = [], scalar_prefetch = 0 : i64, scratch_operands = 0 : i64, tpu.core_type = #tpu.core_type<tc>} {
    %iota3A = tpu.iota {dimensions = array<i32: 1>} : vector<128x6400xi32>
    %iota3A_0 = tpu.iota {dimensions = array<i32: 1>} : vector<128x50xi32>
    %get3A = arith.constant 0 : index
    %get3A_1 = arith.constant 0 : index
    %get3A_2 = vector.load %arg0[%get3A, %get3A_1] : memref<128x6400xf32, #tpu.memory_space<vmem>>, vector<128x6400xf32>
    %broadcast_in_dim3A = arith.constant 0.000000e+00 : f32
    %broadcast_in_dim3A_3 = vector.broadcast %broadcast_in_dim3A : f32 to vector<128x50xf32>
    %broadcast_in_dim3A_4 = arith.constant 0 : i32
    %broadcast_in_dim3A_5 = vector.broadcast %broadcast_in_dim3A_4 : i32 to vector<128x50xi32>
    %scan3A = arith.constant 0 : i32
    %scan3A_6 = arith.constant 50 : i32
    %scan3A_7 = arith.addi %scan3A, %scan3A_6 : i32
    %scan3A_8 = arith.constant 1 : i32
    %scan3A_9:3 = scf.for %scan3A_16 = %scan3A to %scan3A_7 step %scan3A_8 iter_args(%scan3A_17 = %get3A_2, %scan3A_18 = %broadcast_in_dim3A_3, %scan3A_19 = %broadcast_in_dim3A_5) -> (vector<128x6400xf32>, vector<128x50xf32>, vector<128x50xi32>)  : i32 {
      %reduce_max3A = arith.constant dense<0xFF800000> : vector<128xf32>
      %reduce_max3A_20 = vector.multi_reduction <maximumf>, %scan3A_17, %reduce_max3A [1] : vector<128x6400xf32> to vector<128xf32>
      %broadcast_in_dim3A_21 = vector.shape_cast %reduce_max3A_20 : vector<128xf32> to vector<128x1xf32>
      %eq3A = vector.broadcast %broadcast_in_dim3A_21 : vector<128x1xf32> to vector<128x6400xf32>
      %eq3A_22 = arith.cmpf oeq, %scan3A_17, %eq3A : vector<128x6400xf32>
      %jit3A = arith.constant 6400 : i32
      %broadcast_in_dim3A_23 = vector.broadcast %jit3A : i32 to vector<128x6400xi32>
      %select_n3A = arith.select %eq3A_22, %iota3A, %broadcast_in_dim3A_23 : vector<128x6400xi1>, vector<128x6400xi32>
      %reduce_min3A = arith.constant dense<2147483647> : vector<128xi32>
      %reduce_min3A_24 = vector.multi_reduction <minsi>, %select_n3A, %reduce_min3A [1] : vector<128x6400xi32> to vector<128xi32>
      %broadcast_in_dim3A_25 = vector.shape_cast %reduce_min3A_24 : vector<128xi32> to vector<128x1xi32>
      %eq3A_26 = vector.broadcast %scan3A_16 : i32 to vector<128x50xi32>
      %eq3A_27 = arith.cmpi eq, %iota3A_0, %eq3A_26 : vector<128x50xi32>
      %broadcast_in_dim3A_28 = vector.shape_cast %broadcast_in_dim3A_21 : vector<128x1xf32> to vector<128x1xf32>
      %broadcast_in_dim3A_29 = vector.broadcast %broadcast_in_dim3A_28 : vector<128x1xf32> to vector<128x50xf32>
      %select_n3A_30 = arith.select %eq3A_27, %broadcast_in_dim3A_29, %scan3A_18 : vector<128x50xi1>, vector<128x50xf32>
      %eq3A_31 = vector.broadcast %scan3A_16 : i32 to vector<128x50xi32>
      %eq3A_32 = arith.cmpi eq, %iota3A_0, %eq3A_31 : vector<128x50xi32>
      %broadcast_in_dim3A_33 = vector.shape_cast %broadcast_in_dim3A_25 : vector<128x1xi32> to vector<128x1xi32>
      %broadcast_in_dim3A_34 = vector.broadcast %broadcast_in_dim3A_33 : vector<128x1xi32> to vector<128x50xi32>
      %select_n3A_35 = arith.select %eq3A_32, %broadcast_in_dim3A_34, %scan3A_19 : vector<128x50xi1>, vector<128x50xi32>
      %eq3A_36 = vector.broadcast %broadcast_in_dim3A_25 : vector<128x1xi32> to vector<128x6400xi32>
      %eq3A_37 = arith.cmpi eq, %iota3A, %eq3A_36 : vector<128x6400xi32>
      %jit3A_38 = arith.constant 0xFF800000 : f32
      %broadcast_in_dim3A_39 = vector.broadcast %jit3A_38 : f32 to vector<128x6400xf32>
      %select_n3A_40 = arith.select %eq3A_37, %broadcast_in_dim3A_39, %scan3A_17 : vector<128x6400xi1>, vector<128x6400xf32>
      scf.yield %select_n3A_40, %select_n3A_30, %select_n3A_35 : vector<128x6400xf32>, vector<128x50xf32>, vector<128x50xi32>
    }
    %scan3A_10 = arith.constant 50 : i32
    %swap3A = arith.constant 0 : index
    %swap3A_11 = arith.constant 0 : index
    %swap3A_12 = vector.load %arg1[%swap3A, %swap3A_11] : memref<128x50xf32, #tpu.memory_space<vmem>>, vector<128x50xf32>
    tpu.vector_store %arg1[%swap3A, %swap3A_11], %scan3A_9#1 {strides = array<i32>} : memref<128x50xf32, #tpu.memory_space<vmem>>, vector<128x50xf32>,
    %swap3A_13 = arith.constant 0 : index
    %swap3A_14 = arith.constant 0 : index
    %swap3A_15 = vector.load %arg2[%swap3A_13, %swap3A_14] : memref<128x50xi32, #tpu.memory_space<vmem>>, vector<128x50xi32>
    tpu.vector_store %arg2[%swap3A_13, %swap3A_14], %scan3A_9#2 {strides = array<i32>} : memref<128x50xi32, #tpu.memory_space<vmem>>, vector<128x50xi32>,
    return
  }
}

</mosaic_0001>

<sc_bundles>
// kernel: gather_offload_async_start.1
scs
__scs_entry_jumppad:
0x0: {  	(pc) =	sbr.rel $0x88, $3  }
0x1: {  	(tag) =	ssettag $0x0;
	lr =	simm.s32 $0x1  }
0x2: {  	[smem:$0x3F9A] =	sst lr;
	_ =	strace $0xD0000000  }
0x3: {  	_ = 	snop  }
0x4: {  	_ = 	snop  }
0x5: {  	_ = 	snop  }
0x6: {  	_ = 	snop  }
0x7: {  	_ = 	snop  }
__scs_overlays_trampoline_lowered:
0x8: {  	[smem:$0x3FA9] =	sst s0  }
0x9: {  	[smem:$0x3FAA] =	sst s1  }
0xa: {  	[smem:$0x3FAB] =	sst s2  }
0xb: {  	[smem:$0x3FAC] =	sst s3  }
0xc: {  	[smem:$0x3FAD] =	sst s4  }
0xd: {  	[smem:$0x3FAE] =	sst s5  }
0xe: {  	[smem:$0x3FAF] =	sst s6  }
0xf: {  	[smem:$0x3FB0] =	sst s7  }
0x10: {  	[smem:$0x3FB1] =	sst s8  }
0x11: {  	[smem:$0x3FB2] =	sst s9;
	s0 =	simm.s32 @!p0 $0x0  }
0x12: {  	s1 =	sld [smem:$0x3F98];
	s0 =	simm.s32 @p0 $0x1  }
0x13: {  	[smem:$0x3FB3] =	sst s0;
	s0 =	simm.s32 @!p1 $0x0  }
0x14: {  	s2 =	sld [smem:$0x3F97];
	s0 =	simm.s32 @p1 $0x1  }
0x15: {  	[smem:$0x3FB4] =	sst s0;
	s0 =	simm.s32 @!p2 $0x0  }
0x16: {  	s3 =	sld [smem:$0x3FDB];
	s0 =	simm.s32 @p2 $0x1  }
0x17: {  	s4 =	simm.s32 $0x1BF5;
	[smem:$0x3FB6] =	sst s0  }
0x18: {  	s0 =	sld [smem:$0x3F99];
	_ =	swait.ge [sflag:s4], $0x0  }
0x19: {  	s7 =	sld [smem:$0x3F9A]  }
0x1a: {  	s8 =	sadd.s32 $0xFFFFE003, lr  }
0x1b: {  	s9 =	sadd.s32 $0xFFFFFEF7, lr;
	s5 =	simm.s32 $0xFFFFFFFF;
	p2 =	slt.u32 s8, $0xFFFFF086  }
0x1c: {  	p1 =	slt.u32 s9, $0xF7A;
	s5 =	simm.s32 @!p2 $0x0  }
0x1d: {  	s5 =	simm.s32 @p1 $0x1;
	p0 =	seq.s32 s7, s2  }
0x1e: {  	s7 =	smul.u32 @!p0 $0xF7A, s2;
	p2 =	seq.s32 @!p0 s5, $0x0  }
0x1f: {  	s9 =	smul.u32 $0xF7A, s1;
	s8 =	simm.s32 @!p0 $0x1BF5;
	p2 =	por !p2, p0  }
0x20: {  	[sflag:s8] =	ssyncset.s32 @!p0 $0xFFFFF086;
	s6 =	sadd.s32 @!p0 s3, s7;
	s7 =	simm.s32 @!p0 $0x108  }
0x21: {  	s3 =	sadd.s32 s3, s9;
	s6 =	sadd.s32 @!p0 $0x88, s6;
	s7 =	simm.s32 @p2 $0x1082  }
0x22: {  	[simem:s7], [sflag:s8] =	dma.local @!p0 [hbm:s6], $0xF7A  }
0x23: {  	s9 =	sor.u32 $0xD0000000, s2;
	s6 =	simm.s32 $0x108;
	_ =	swait.ge @!p0 [sflag:s8], $0x0  }
0x24: {  	s3 =	sadd.s32 $0x88, s3;
	s6 =	simm.s32 @!p1 $0x1082;
	[sflag:s4] =	ssyncset.s32 $0xFFFFF086  }
0x25: {  	[simem:s6], [sflag:s4] =	dma.local [hbm:s3], $0xF7A  }
0x26: {  	[smem:$0x3F9A] =	sst s1;
	(tag) =	ssettag s2;
	_ =	strace s9  }
0x27: {  	s1 =	sld [smem:$0x3FAA]  }
0x28: {  	s2 =	sld [smem:$0x3FAB]  }
0x29: {  	s4 =	sld [smem:$0x3FAD]  }
0x2a: {  	p0 =	seq.s32 s5, $0x0;
	s5 =	sld [smem:$0x3FAE]  }
0x2b: {  	s6 =	sld [smem:$0x3FAF]  }
0x2c: {  	s7 =	sld [smem:$0x3FB0]  }
0x2d: {  	s3 =	simm.s32 $0x108;
	s8 =	sld [smem:$0x3FB1]  }
0x2e: {  	s3 =	simm.s32 @!p0 $0x1082;
	s9 =	sld [smem:$0x3FB2]  }
0x2f: {  	lr =	sadd.s32 s0, s3;
	s0 =	sld [smem:$0x3FA9]  }
0x30: {  	s3 =	sld [smem:$0x3FAC]  }
0x31: {  	[smem:$0x3FB5] =	sst s10  }
0x32: {  	s10 =	sld [smem:$0x3FB3];
	_ =	sdelay $0x3  }
0x33: {  	p0 =	seq.s32 s10, $0x1;
	s10 =	sld [smem:$0x3FB5];
	_ =	sdelay $0x3  }
0x34: {  	[smem:$0x3FB5] =	sst s10  }
0x35: {  	s10 =	sld [smem:$0x3FB4];
	_ =	sdelay $0x3  }
0x36: {  	p1 =	seq.s32 s10, $0x1;
	s10 =	sld [smem:$0x3FB5];
	_ =	sdelay $0x3  }
0x37: {  	[smem:$0x3FB5] =	sst s10  }
0x38: {  	s10 =	sld [smem:$0x3FB6]  }
0x39: {  	_ = 	snop;
	(pc) =	sbr.ind lr, $3  }
0x3a: {  	_ = 	snop  }
0x3b: {  	_ = 	snop  }
0x3c: {  	p2 =	seq.s32 s10, $0x1;
	s10 =	sld [smem:$0x3FB5]  }
0x3d: {  	_ =	shalt  }
0x3e: {  	_ =	shalt  }
0x3f: {  	_ =	shalt  }
0x40: {  	_ =	shalt  }
0x41: {  	_ =	shalt  }
0x42: {  	_ =	shalt  }
0x43: {  	_ =	shalt  }
0x44: {  	_ =	shalt  }
0x45: {  	_ =	shalt  }
0x46: {  	_ =	shalt  }
0x47: {  	_ =	shalt  }
0x48: {  	_ =	shalt  }
0x49: {  	_ =	shalt  }
0x4a: {  	_ =	shalt  }
0x4b: {  	_ =	shalt  }
0x4c: {  	_ =	shalt  }
0x4d: {  	_ =	shalt  }
0x4e: {  	_ =	shalt  }
0x4f: {  	_ =	shalt  }
0x50: {  	_ =	shalt  }
0x51: {  	_ =	shalt  }
0x52: {  	_ =	shalt  }
0x53: {  	_ =	shalt  }
0x54: {  	_ =	shalt  }
0x55: {  	_ =	shalt  }
0x56: {  	_ =	shalt  }
0x57: {  	_ =	shalt  }
0x58: {  	_ =	shalt  }
0x59: {  	_ =	shalt  }
0x5a: {  	_ =	shalt  }
0x5b: {  	_ =	shalt  }
0x5c: {  	_ =	shalt  }
0x5d: {  	_ =	shalt  }
0x5e: {  	_ =	shalt  }
0x5f: {  	_ =	shalt  }
0x60: {  	_ =	shalt  }
0x61: {  	_ =	shalt  }
0x62: {  	_ =	shalt  }
0x63: {  	_ =	shalt  }
0x64: {  	_ =	shalt  }
0x65: {  	_ =	shalt  }
0x66: {  	_ =	shalt  }
0x67: {  	_ =	shalt  }
0x68: {  	_ =	shalt  }
0x69: {  	_ =	shalt  }
0x6a: {  	_ =	shalt  }
0x6b: {  	_ =	shalt  }
0x6c: {  	_ =	shalt  }
0x6d: {  	_ =	shalt  }
0x6e: {  	_ =	shalt  }
0x6f: {  	_ =	shalt  }
0x70: {  	_ =	shalt  }
0x71: {  	_ =	shalt  }
0x72: {  	_ =	shalt  }
0x73: {  	_ =	shalt  }
0x74: {  	_ =	shalt  }
0x75: {  	_ =	shalt  }
0x76: {  	_ =	shalt  }
0x77: {  	_ =	shalt  }
0x78: {  	_ =	shalt  }
0x79: {  	_ =	shalt  }
0x7a: {  	_ =	shalt  }
0x7b: {  	_ =	shalt  }
0x7c: {  	_ =	shalt  }
0x7d: {  	_ =	shalt  }
0x7e: {  	_ =	shalt  }
0x7f: {  	_ =	shalt  }
0x80: {  	_ =	shalt  }
0x81: {  	_ =	shalt  }
0x82: {  	_ =	shalt  }
0x83: {  	_ =	shalt  }
0x84: {  	_ =	shalt  }
0x85: {  	_ =	shalt  }
0x86: {  	_ =	shalt  }
0x87: {  	_ =	shalt  }
.Lfunc_end0:
.L_simem_size_0:
called_computation.2_lowered:
.L_overlay_start_0:
0x88: {  	s2 =	sld [smem:$0x3FD9]  }
0x89: {  	s3 =	sld [smem:$0x3FFE];
	_ =	sdelay $0x1  }
0x8a: {  	s1 =	srdreg.scid  }
0x8b: {  	s0 =	sand.u32 $0x1, s1  }
0x8c: {  	s14 =	sshll.u32 s0, $0xA;
	s2 =	sadd.s32 s3, s2  }
0x8d: {  	s2 =	sadd.s32 s2, s14  }
0x8e: {  	[smem:$0x3FC1] =	sst s2  }
0x8f: {  	_ = 	snop  }
0x90: {  	s2 =	sld [smem:$0x3FD0];
	_ =	sdelay $0x2  }
0x91: {  	s15 =	simm.s32 $0xA;
	s4 =	simm.s32 $0x10  }
0x92: {  	[smem:s4], [sflag:s15] =	dma.local [hbm:s2], $0x1  }
0x93: {  	_ =	swait.eq [sflag:s15], $0x1  }
0x94: {  	[sflag:s15] =	ssyncset.done $0x0  }
0x95: {  	[sflag:s15] =	ssyncadd.s32 $0xFFFFFFFF  }
0x96: {  	s16 =	sld [smem:$0x12];
	(tm) =	ssettm $0x1  }
0x97: {  	s17 =	sld [smem:$0x3FFB];
	_ =	sdelay $0x3  }
0x98: {  	_ =	strace s17  }
0x99: {  	s3 =	sld [smem:$0x3FFC];
	_ =	sdelay $0x3  }
0x9a: {  	_ =	strace s3  }
0x9b: {  	s3 =	sld [smem:$0x3FFD];
	_ =	sdelay $0x3  }
0x9c: {  	_ =	strace s3  }
0x9d: {  	_ =	strace $0x8FFFFFFF  }
0x9e: {  	s18 =	sld [smem:$0x3FDB];
	_ =	sdelay $0x1  }
0x9f: {  	s19 =	simm.s32 $_scs_section_size  }
0xa0: {  	s5 =	simm.s32 $_size__tile_overlayer_lowered;
	s6 =	simm.s32 $_tile_overlayer_lowered  }
0xa1: {  	s22 =	simm.s32 $0x1BFF;
	s21 =	sshll.u32 s6, $0x1;
	s3 =	sadd.s32 s19, s18  }
0xa2: {  	s7 =	simm.s32 $0x0;
	s20 =	sshll.u32 s5, $0x1;
	s5 =	sadd.s32 s21, s3  }
0xa3: {  	[timem:s7], [sflag:s22] =	dma.local [hbm:s5], s20  }
0xa4: {  	_ =	swait.ge [sflag:s22], s20  }
0xa5: {  	s4 =	ssub.s32 $0x0, s20;
	[sflag:s22] =	ssyncset.done $0x0  }
0xa6: {  	[sflag:s22] =	ssyncadd.s32 s4;
	_ =	sdelay $0x1  }
0xa7: {  	s23 =	simm.s32 $0x1B8B  }
0xa8: {  	_ =	swait.ge [sflag:s23], $0x1  }
0xa9: {  	[sflag:s23] =	ssyncset.done $0x0  }
0xaa: {  	s25 =	simm.s32 $0x1B8E;
	s24 =	sld [smem:$0x3FFE];
	[sflag:s23] =	ssyncadd.s32 $0xFFFFFFFF  }
0xab: {  	s26 =	simm.s32 $execute0_lowered;
	[smem:$0x3FD2] =	sst s25  }
0xac: {  	s5 =	sshll.u32 s26, $0x1;
	_ =	strace $0x8000004C;
	[dreg:$0x1] =	wrdreg $0xFFFFFFFF  }
0xad: {  	s28 =	simm.s32 $_size_execute0_lowered;
	s3 =	sadd.s32 s3, s5;
	[dreg:$0x0] =	wrdreg $0x0  }
0xae: {  	s5 =	sshll.u32 s28, $0x1;
	[dreg:$0x2] =	wrdreg s3  }
0xaf: {  	[dreg:$0x3] =	wrdreg s5  }
0xb0: {  	[dreg:$0x4] =	wrdreg $0xC0  }
0xb1: {  	_ =	task [dreg:s7], $0x5FFFF  }
0xb2: {  	[dreg:$0x1] =	wrdreg $0xFFFFFFFF  }
0xb3: {  	[dreg:$0x0] =	wrdreg $0x60  }
0xb4: {  	[dreg:$0x2] =	wrdreg s16  }
0xb5: {  	[dreg:$0x3] =	wrdreg s24  }
0xb6: {  	[dreg:$0x4] =	wrdreg $0x9  }
0xb7: {  	_ =	task.clear_ibuf [dreg:s7], $0x5FFFF;
	_ =	strace $0x9000004C  }
0xb8: {  	s29 =	simm.s32 $0x9;
	_ =	strace $0x8000004E  }
0xb9: {  	_ =	swait.ge [sflag:s29], $0x1  }
0xba: {  	[sflag:s29] =	ssyncadd.s32 $0xFFFFFFFF  }
0xbb: {  	_ =	strace $0x9000004E  }
0xbc: {  	_ =	sfence  }
0xbd: {  	s30 =	sld [smem:$0x0];
	_ =	sdelay $0x2  }
0xbe: {  	s31 =	sshll.u32 s1, $0xD;
	s1 =	sshrl.u32 s1, $0x2  }
0xbf: {  	s3 =	sand.u32 $0x4000, s31;
	s1 =	sadd.s32 s1, s30  }
0xc0: {  	s0 =	sor.u32 s3, s0;
	s1 =	sshll.u32 s1, $0x11  }
0xc1: {  	s0 =	sor.u32 s1, s0  }
0xc2: {  	s0 =	sadd.s32 $0x8F2B, s0  }
0xc3: {  	[sflag:s0] =	ssyncadd.remote.s32 $0x1  }
0xc4: {  	_ =	sfence.sel $0xFFFF  }
0xc5: {  	[dreg:$0x0] =	wrdreg $0xFFFFFFFF;
	(pc) =	sbr.abs _section_cstart, $3  }
0xc6: {  	[dreg:$0x1] =	wrdreg $0xFFFFFFFF  }
0xc7: {  	_ =	task.clear_ibuf [dreg:s7], $0x2FFFF;
	_ =	strace $0x9FFFFFFF  }
0xc8: {  	(tm) =	ssettm $0x7FFFFFFF  }
0xc9: {  	_ =	shalt  }
tec
execute0_lowered:
.L_overlay_start_1:
0x0: {  	(tag) =	ssettag $0x1  }
0x1: {  	s2 =	rddreg [dreg:$0x0]  }
0x2: {  	s0 =	stileid.u32;
	s1 =	srdreg.scid  }
0x3: {  	s3 =	rddreg [dreg:$0x1];
	s8 =	simm.s32 $0x1;
	s9 =	simm.s32 $0x3  }
0x4: {  	s10 =	simm.s32 $0x0;
	s4 =	sand.u32 $0x1, s1;
	s5 =	sshll.u32 s0, $0x1  }
0x5: {  	s13 =	simm.s32 $0x0;
	s12 =	simm.s32 $0x0;
	s6 =	sor.u32 s5, s4  }
0x6: {  	s1 =	rddreg [dreg:$0x2];
	_ =	strace $0x8000004D;
	s4 =	smul.u32 $0xA0, s6  }
0x7: {  	s5 =	simm.s32 $0x1;
	p0 =	slt.u32 s6, $0x9;
	s6 =	simm.s32 $0x1400  }
.Ltmp0:
0x8: {  	s6 =	simm.s32 @!p0 $0x0;
	s7 =	ssub.s32 $0x1900, s4;
	(pc) =	sbr.rel .LBB2_1-.Ltmp0, $4  }
0x9: {  	s8 =	simm.s32 @!p0 $0x0;
	p0 =	sne.s32 s7, s6;
	s7 =	simm.s32 $0x1  }
0xa: {  	[sflag:s5] =	ssyncpa.u1 $0x0;
	s6 =	simm.s32 $0x2;
	s7 =	simm.s32 @!p0 $0x0  }
0xb: {  	s11 =	smov.u32 s4;
	[sflag:s6] =	ssyncpa.u1 $0x0;
	s7 =	sadd.s32 s8, s7  }
0xc: {  	vm0 =	vmmov $0xffff;
	s8 =	sadd.s32 $0x400, s3;
	[sflag:s9] =	ssyncpa.u1 $0x0;
	s9 =	sadd.s32 $0x1, s7  }
.LBB2_4:
0xd: {  	v3 =	vshrl.u32 v0, $0x7;
	v62 =	vshll.u32 v0, $0xC;
	v2 =	vand.u32 $0xF80, v2  }
0xe: {  	v3 =	vand.u32 $0x3F, v3;
	v0 =	vand.u32 $0x3000, v62;
	v2 =	vsel vm1, $0xFFFFFF80, v2  }
0xf: {  	v3 =	vsel vm1, $0xFFFFFFFF, v3;
	v0 =	vsel vm1, $0xFFFFF000, v0;
	v4 =	vand.u32 $0xFFFFFC00, v2  }
0x10: {  	v0 =	vadd.s32 v0, v4;
	v63 =	vand.u32 $0xFFFFFC00, v3  }
0x11: {  	v2 =	vand.u32 $0x380, v2;
	v0 =	vadd.s32 v63, v0  }
0x12: {  	v3 =	vand.u32 $0x7F, v3;
	v0 =	vor.u32 v2, v0  }
0x13: {  	v0 =	vor.u32 v3, v0;
	_ =	sdelay $0x1  }
0x14: {  	(ifvalue) =	ssetifvalue $0x7FFFFFFF;
	s15 =	sadd.s32 $0x10, s15  }
0x15: {  	[tilespmem:s15], [sflag:$0x1] =	stream.indirect_vreg.gather [hbm4b:s2+s10], $0x1, v1, vm0, $0x4038;
	[tilespmem:$0x280] =	vst v63  }
0x16: {  	(ifvalue) =	ssetifvalue $0x7FFFFFFF;
	s15 =	sadd.s32 $0x10, s15  }
0x17: {  	[tilespmem:s15], [sflag:$0x1] =	stream.indirect_vreg.gather [hbm4b:s2+s10], $0x1, v0, vm0, $0x4038;
	[tilespmem:$0x280] =	vst v63  }
0x18: {  	_ =	swait.ge [sflag:s5], $0xA0  }
0x19: {  	s30 =	sshrl.u32 s13, $0x3;
	[sflag:s5] =	ssyncset.done $0x0  }
0x1a: {  	s31 =	sand.u32 $0x7, s13;
	s15 =	sadd.s32 s8, s30;
	[sflag:s5] =	ssyncadd.s32 $0xFFFFFF60  }
0x1b: {  	[hbm4b:s15+s31] =	stream.linear.scatter [tilespmem:s14], [sflag:$0x3], $0xA0, $0x38;
	[tilespmem:$0x280] =	vst v63  }
.LBB2_5:
0x1c: {  	s15 =	sadd.s32 $0x1400, s11  }
0x1d: {  	p1 =	sgt.s32 s15, $0x18FF  }
0x1e: {  	s15 =	smov.u32 @p1 s4;
	p1 =	sne.s32 s12, s9  }
.Ltmp1:
0x1f: {  	p0 =	slt.u32 s12, $0x2;
	(pc) =	sbr.rel @!p1 .LBB2_6-.Ltmp1, $4  }
0x20: {  	s14 =	simm.s32 @!p0 $0x3  }
0x21: {  	_ =	swait.ge @!p0 [sflag:s14], $0xA0  }
0x22: {  	s16 =	sadd.s32 $0x1, s12;
	s13 =	smov.u32 s11;
	[sflag:s14] =	ssyncset.done @!p0 $0x0  }
0x23: {  	s12 =	smov.u32 s16;
	s11 =	smov.u32 s15;
	[sflag:s14] =	ssyncadd.s32 @!p0 $0xFFFFFF60  }
.LBB2_1:
0x24: {  	p0 =	sge.u32 s12, s7  }
0x25: {  	s14 =	sxor.u32 @!p0 $0x1, s12  }
0x26: {  	s14 =	smul.u32 @!p0 $0x280, s14  }
0x27: {  	s31 =	sadd.s32 $0xFFFFFFFF, s12;
	s15 =	sshrl.u32 @!p0 s11, $0x3  }
0x28: {  	s16 =	sand.u32 @!p0 $0x7, s11;
	s15 =	sadd.s32 @!p0 s3, s15;
	s14 =	sshra.s32 @!p0 s14, $0x2  }
0x29: {  	[tilespmem:s14], [sflag:$0x2] =	stream.linear.gather @!p0 [hbm4b:s15+s16], $0xA0, $0x38;
	[tilespmem:$0x280] =	vst v63  }
0x2a: {  	p0 =	sge.u32 s31, s7  }
.Ltmp2:
0x2b: {  	_ = 	snop;
	(pc) =	sbr.rel @p0 .LBB2_5-.Ltmp2, $1  }
0x2c: {  	_ =	sdelay $0x3  }
0x2d: {  	s14 =	sand.u32 $0x1, s12  }
0x2e: {  	_ =	swait.ge [sflag:s6], $0xA0;
	p0 =	seq.s32 s14, $0x1;
	s14 =	simm.s32 $0xA0  }
0x2f: {  	[sflag:s6] =	ssyncset.done $0x0;
	s14 =	simm.s32 @!p0 $0x0  }
0x30: {  	[sflag:s6] =	ssyncadd.s32 $0xFFFFFF60;
	(ifvalue) =	ssetifvalue $0x7FFFFFFF;
	v0 =	vld.msk [tilespmem:s14+$0x0 ss:$0x1], $0xffff;
	_ =	sdelay $0x2  }
0x31: {  	s15 =	sadd.s32 $0x10, s14  }
0x32: {  	v3 =	vld.msk [tilespmem:s15+$0x0 ss:$0x1], $0xffff  }
0x33: {  	vm1 =	veq.s32 v0, $0x80000000;
	v1 =	vshll.u32 v0, $0x5  }
0x34: {  	v2 =	vshrl.u32 v0, $0x7;
	v0 =	vshll.u32 v0, $0xC;
	v1 =	vand.u32 $0xF80, v1  }
0x35: {  	v2 =	vand.u32 $0x3F, v2;
	v0 =	vand.u32 $0x3000, v0;
	v1 =	vsel vm1, $0xFFFFFF80, v1  }
0x36: {  	v2 =	vsel vm1, $0xFFFFFFFF, v2;
	v0 =	vsel vm1, $0xFFFFF000, v0;
	v4 =	vand.u32 $0xFFFFFC00, v1  }
0x37: {  	v62 =	vshrl.u32 v3, $0x7;
	v61 =	vand.u32 $0xFFFFFC00, v2;
	v0 =	vadd.s32 v0, v4  }
0x38: {  	vm1 =	veq.s32 v3, $0x80000000;
	v1 =	vand.u32 $0x380, v1;
	v0 =	vadd.s32 v61, v0  }
0x39: {  	v2 =	vand.u32 $0x7F, v2;
	v0 =	vor.u32 v1, v0;
	v1 =	vshll.u32 v3, $0x5  }
0x3a: {  	s15 =	sadd.s32 $0x10, s15;
	v4 =	vand.u32 $0x3F, v62;
	v3 =	vshll.u32 v3, $0xC;
	v1 =	vand.u32 $0xF80, v1  }
0x3b: {  	v2 =	vor.u32 v2, v0;
	v0 =	vld.msk [tilespmem:s15+$0x0 ss:$0x1], $0xffff;
	v3 =	vand.u32 $0x3000, v3;
	v1 =	vsel vm1, $0xFFFFFF80, v1  }
0x3c: {  	v4 =	vsel vm1, $0xFFFFFFFF, v4;
	v3 =	vsel vm1, $0xFFFFF000, v3;
	v5 =	vand.u32 $0xFFFFFC00, v1  }
0x3d: {  	v63 =	vand.u32 $0xFFFFFC00, v4;
	v3 =	vadd.s32 v3, v5  }
0x3e: {  	s16 =	simm.s32 $0x20;
	s14 =	sor.u32 $0x140, s14;
	v1 =	vand.u32 $0x380, v1;
	v3 =	vadd.s32 v63, v3  }
0x3f: {  	s17 =	sadd.s32 $0x10, s15;
	v4 =	vand.u32 $0x7F, v4;
	(ifvalue) =	ssetifvalue $0x7FFFFFFF;
	s15 =	smov.u32 s14;
	v1 =	vor.u32 v1, v3  }
0x40: {  	[tilespmem:s14], [sflag:$0x1] =	stream.indirect_vreg.gather [hbm4b:s2+s10], $0x1, v2, vm0, $0x4038;
	vm1 =	veq.s32 v0, $0x80000000;
	v2 =	vshll.u32 v0, $0x5;
	v1 =	vor.u32 v4, v1;
	[tilespmem:$0x280] =	vst v63  }
.LBB2_3:
0x41: {  	s16 =	sadd.s32 $0x10, s16;
	v3 =	vshrl.u32 v0, $0x7;
	v4 =	vshll.u32 v0, $0xC;
	v0 =	vld.msk [tilespmem:s17+$0x0 ss:$0x1], $0xffff;
	v2 =	vand.u32 $0xF80, v2  }
0x42: {  	p0 =	slt.u32 s16, $0x90;
	v3 =	vand.u32 $0x3F, v3;
	v4 =	vand.u32 $0x3000, v4;
	v2 =	vsel vm1, $0xFFFFFF80, v2  }
.Ltmp3:
0x43: {  	v3 =	vsel vm1, $0xFFFFFFFF, v3;
	v4 =	vsel vm1, $0xFFFFF000, v4;
	v5 =	vand.u32 $0xFFFFFC00, v2;
	(pc) =	sbr.rel @p0 .LBB2_3-.Ltmp3, $4  }
0x44: {  	s15 =	sadd.s32 $0x10, s15;
	v4 =	vadd.s32 v4, v5;
	v5 =	vand.u32 $0xFFFFFC00, v3;
	(ifvalue) =	ssetifvalue $0x7FFFFFFF  }
0x45: {  	v2 =	vand.u32 $0x380, v2;
	v4 =	vadd.s32 v5, v4;
	[tilespmem:s15], [sflag:$0x1] =	stream.indirect_vreg.gather [hbm4b:s2+s10], $0x1, v1, vm0, $0x4038;
	[tilespmem:$0x280] =	vst v63  }
0x46: {  	v1 =	vand.u32 $0x7F, v3;
	v3 =	vor.u32 v2, v4  }
0x47: {  	s17 =	sadd.s32 $0x10, s17;
	vm1 =	veq.s32 v0, $0x80000000;
	v2 =	vshll.u32 v0, $0x5;
	v1 =	vor.u32 v1, v3  }
.Ltmp4:
0x48: {  	_ = 	snop;
	(pc) =	sbr.rel .LBB2_4-.Ltmp4, $1  }
0x49: {  	_ =	sdelay $0x3  }
.LBB2_6:
0x4a: {  	_ =	sfence.sel $0x180000  }
0x4b: {  	s2 =	simm.s32 $0x2;
	[bflag:$0x0] =	sbarrier.arrive $0xFFFF  }
0x4c: {  	s30 =	simm.s32 $0x3;
	[sflag:s2] =	ssyncpa.u1 $0x1  }
0x4d: {  	s31 =	simm.s32 $0x1;
	[sflag:s30] =	ssyncpa.u1 $0x1  }
0x4e: {  	[sflag:s31] =	ssyncpa.u1 $0x1  }
0x4f: {  	p0 =	sne.s32 s0, $0x0;
	_ =	strace $0x9000004D  }
0x50: {  	s0 =	sadd.s32 @!p0 $0x100000, s1;
	[bflag:$0x2] =	sbarrier.arrive $0xFFFF  }
0x51: {  	[sflag:s0] =	ssyncadd.tile.s32 @!p0 $0x1;
	_ =	shalt  }
.Lfunc_end2:
_tile_overlayer_lowered:
.L_overlay_start_2:
0x52: {  	(tag) =	ssettag $0x2  }
0x53: {  	s0 =	rddreg [dreg:$0x0];
	s2 =	stileid.u32  }
0x54: {  	s1 =	rddreg [dreg:$0x1];
	p0 =	sne.s32 s2, $0x0  }
0x55: {  	s3 =	rddreg [dreg:$0x2];
	[bflag:$0x3] =	sbarrier.arrive $0xFFFF;
	s2 =	simm.s32 @!p0 $0x1C01  }
0x56: {  	[timem:s3], [sflag:s2] =	dma.local @!p0 [hbm:s0], s1  }
0x57: {  	s0 =	simm.s32 @!p0 $0x1  }
0x58: {  	_ =	swait.ge @!p0 [sflag:s0], s1  }
0x59: {  	s1 =	ssub.s32 @!p0 $0x0, s1;
	[sflag:s0] =	ssyncset.done @!p0 $0x0  }
0x5a: {  	[sflag:s0] =	ssyncadd.s32 @!p0 s1  }
0x5b: {  	[bflag:$0x3] =	sbarrier.arrive $0xFFFF  }
0x5c: {  	_ =	shalt  }

// kernel: gather_offload_async_start.2
scs
__scs_entry_jumppad:
0x0: {  	(pc) =	sbr.rel $0x88, $3  }
0x1: {  	(tag) =	ssettag $0x0;
	lr =	simm.s32 $0x1  }
0x2: {  	[smem:$0x3F9A] =	sst lr;
	_ =	strace $0xD0000000  }
0x3: {  	_ = 	snop  }
0x4: {  	_ = 	snop  }
0x5: {  	_ = 	snop  }
0x6: {  	_ = 	snop  }
0x7: {  	_ = 	snop  }
__scs_overlays_trampoline_lowered:
0x8: {  	[smem:$0x3FA9] =	sst s0  }
0x9: {  	[smem:$0x3FAA] =	sst s1  }
0xa: {  	[smem:$0x3FAB] =	sst s2  }
0xb: {  	[smem:$0x3FAC] =	sst s3  }
0xc: {  	[smem:$0x3FAD] =	sst s4  }
0xd: {  	[smem:$0x3FAE] =	sst s5  }
0xe: {  	[smem:$0x3FAF] =	sst s6  }
0xf: {  	[smem:$0x3FB0] =	sst s7  }
0x10: {  	[smem:$0x3FB1] =	sst s8  }
0x11: {  	[smem:$0x3FB2] =	sst s9;
	s0 =	simm.s32 @!p0 $0x0  }
0x12: {  	s1 =	sld [smem:$0x3F98];
	s0 =	simm.s32 @p0 $0x1  }
0x13: {  	[smem:$0x3FB3] =	sst s0;
	s0 =	simm.s32 @!p1 $0x0  }
0x14: {  	s2 =	sld [smem:$0x3F97];
	s0 =	simm.s32 @p1 $0x1  }
0x15: {  	[smem:$0x3FB4] =	sst s0;
	s0 =	simm.s32 @!p2 $0x0  }
0x16: {  	s3 =	sld [smem:$0x3FDB];
	s0 =	simm.s32 @p2 $0x1  }
0x17: {  	s4 =	simm.s32 $0x1BF5;
	[smem:$0x3FB6] =	sst s0  }
0x18: {  	s0 =	sld [smem:$0x3F99];
	_ =	swait.ge [sflag:s4], $0x0  }
0x19: {  	s7 =	sld [smem:$0x3F9A]  }
0x1a: {  	s8 =	sadd.s32 $0xFFFFE003, lr  }
0x1b: {  	s9 =	sadd.s32 $0xFFFFFEF7, lr;
	s5 =	simm.s32 $0xFFFFFFFF;
	p2 =	slt.u32 s8, $0xFFFFF086  }
0x1c: {  	p1 =	slt.u32 s9, $0xF7A;
	s5 =	simm.s32 @!p2 $0x0  }
0x1d: {  	s5 =	simm.s32 @p1 $0x1;
	p0 =	seq.s32 s7, s2  }
0x1e: {  	s7 =	smul.u32 @!p0 $0xF7A, s2;
	p2 =	seq.s32 @!p0 s5, $0x0  }
0x1f: {  	s9 =	smul.u32 $0xF7A, s1;
	s8 =	simm.s32 @!p0 $0x1BF5;
	p2 =	por !p2, p0  }
0x20: {  	[sflag:s8] =	ssyncset.s32 @!p0 $0xFFFFF086;
	s6 =	sadd.s32 @!p0 s3, s7;
	s7 =	simm.s32 @!p0 $0x108  }
0x21: {  	s3 =	sadd.s32 s3, s9;
	s6 =	sadd.s32 @!p0 $0x88, s6;
	s7 =	simm.s32 @p2 $0x1082  }
0x22: {  	[simem:s7], [sflag:s8] =	dma.local @!p0 [hbm:s6], $0xF7A  }
0x23: {  	s9 =	sor.u32 $0xD0000000, s2;
	s6 =	simm.s32 $0x108;
	_ =	swait.ge @!p0 [sflag:s8], $0x0  }
0x24: {  	s3 =	sadd.s32 $0x88, s3;
	s6 =	simm.s32 @!p1 $0x1082;
	[sflag:s4] =	ssyncset.s32 $0xFFFFF086  }
0x25: {  	[simem:s6], [sflag:s4] =	dma.local [hbm:s3], $0xF7A  }
0x26: {  	[smem:$0x3F9A] =	sst s1;
	(tag) =	ssettag s2;
	_ =	strace s9  }
0x27: {  	s1 =	sld [smem:$0x3FAA]  }
0x28: {  	s2 =	sld [smem:$0x3FAB]  }
0x29: {  	s4 =	sld [smem:$0x3FAD]  }
0x2a: {  	p0 =	seq.s32 s5, $0x0;
	s5 =	sld [smem:$0x3FAE]  }
0x2b: {  	s6 =	sld [smem:$0x3FAF]  }
0x2c: {  	s7 =	sld [smem:$0x3FB0]  }
0x2d: {  	s3 =	simm.s32 $0x108;
	s8 =	sld [smem:$0x3FB1]  }
0x2e: {  	s3 =	simm.s32 @!p0 $0x1082;
	s9 =	sld [smem:$0x3FB2]  }
0x2f: {  	lr =	sadd.s32 s0, s3;
	s0 =	sld [smem:$0x3FA9]  }
0x30: {  	s3 =	sld [smem:$0x3FAC]  }
0x31: {  	[smem:$0x3FB5] =	sst s10  }
0x32: {  	s10 =	sld [smem:$0x3FB3];
	_ =	sdelay $0x3  }
0x33: {  	p0 =	seq.s32 s10, $0x1;
	s10 =	sld [smem:$0x3FB5];
	_ =	sdelay $0x3  }
0x34: {  	[smem:$0x3FB5] =	sst s10  }
0x35: {  	s10 =	sld [smem:$0x3FB4];
	_ =	sdelay $0x3  }
0x36: {  	p1 =	seq.s32 s10, $0x1;
	s10 =	sld [smem:$0x3FB5];
	_ =	sdelay $0x3  }
0x37: {  	[smem:$0x3FB5] =	sst s10  }
0x38: {  	s10 =	sld [smem:$0x3FB6]  }
0x39: {  	_ = 	snop;
	(pc) =	sbr.ind lr, $3  }
0x3a: {  	_ = 	snop  }
0x3b: {  	_ = 	snop  }
0x3c: {  	p2 =	seq.s32 s10, $0x1;
	s10 =	sld [smem:$0x3FB5]  }
0x3d: {  	_ =	shalt  }
0x3e: {  	_ =	shalt  }
0x3f: {  	_ =	shalt  }
0x40: {  	_ =	shalt  }
0x41: {  	_ =	shalt  }
0x42: {  	_ =	shalt  }
0x43: {  	_ =	shalt  }
0x44: {  	_ =	shalt  }
0x45: {  	_ =	shalt  }
0x46: {  	_ =	shalt  }
0x47: {  	_ =	shalt  }
0x48: {  	_ =	shalt  }
0x49: {  	_ =	shalt  }
0x4a: {  	_ =	shalt  }
0x4b: {  	_ =	shalt  }
0x4c: {  	_ =	shalt  }
0x4d: {  	_ =	shalt  }
0x4e: {  	_ =	shalt  }
0x4f: {  	_ =	shalt  }
0x50: {  	_ =	shalt  }
0x51: {  	_ =	shalt  }
0x52: {  	_ =	shalt  }
0x53: {  	_ =	shalt  }
0x54: {  	_ =	shalt  }
0x55: {  	_ =	shalt  }
0x56: {  	_ =	shalt  }
0x57: {  	_ =	shalt  }
0x58: {  	_ =	shalt  }
0x59: {  	_ =	shalt  }
0x5a: {  	_ =	shalt  }
0x5b: {  	_ =	shalt  }
0x5c: {  	_ =	shalt  }
0x5d: {  	_ =	shalt  }
0x5e: {  	_ =	shalt  }
0x5f: {  	_ =	shalt  }
0x60: {  	_ =	shalt  }
0x61: {  	_ =	shalt  }
0x62: {  	_ =	shalt  }
0x63: {  	_ =	shalt  }
0x64: {  	_ =	shalt  }
0x65: {  	_ =	shalt  }
0x66: {  	_ =	shalt  }
0x67: {  	_ =	shalt  }
0x68: {  	_ =	shalt  }
0x69: {  	_ =	shalt  }
0x6a: {  	_ =	shalt  }
0x6b: {  	_ =	shalt  }
0x6c: {  	_ =	shalt  }
0x6d: {  	_ =	shalt  }
0x6e: {  	_ =	shalt  }
0x6f: {  	_ =	shalt  }
0x70: {  	_ =	shalt  }
0x71: {  	_ =	shalt  }
0x72: {  	_ =	shalt  }
0x73: {  	_ =	shalt  }
0x74: {  	_ =	shalt  }
0x75: {  	_ =	shalt  }
0x76: {  	_ =	shalt  }
0x77: {  	_ =	shalt  }
0x78: {  	_ =	shalt  }
0x79: {  	_ =	shalt  }
0x7a: {  	_ =	shalt  }
0x7b: {  	_ =	shalt  }
0x7c: {  	_ =	shalt  }
0x7d: {  	_ =	shalt  }
0x7e: {  	_ =	shalt  }
0x7f: {  	_ =	shalt  }
0x80: {  	_ =	shalt  }
0x81: {  	_ =	shalt  }
0x82: {  	_ =	shalt  }
0x83: {  	_ =	shalt  }
0x84: {  	_ =	shalt  }
0x85: {  	_ =	shalt  }
0x86: {  	_ =	shalt  }
0x87: {  	_ =	shalt  }
.Lfunc_end0:
.L_simem_size_0:
called_computation.3_lowered:
.L_overlay_start_0:
0x88: {  	s2 =	sld [smem:$0x3FD9]  }
0x89: {  	s3 =	sld [smem:$0x3FFE];
	_ =	sdelay $0x1  }
0x8a: {  	s1 =	srdreg.scid  }
0x8b: {  	s0 =	sand.u32 $0x1, s1  }
0x8c: {  	s17 =	sshll.u32 s0, $0xA;
	s2 =	sadd.s32 s3, s2  }
0x8d: {  	s2 =	sadd.s32 s2, s17  }
0x8e: {  	[smem:$0x3FC1] =	sst s2  }
0x8f: {  	_ = 	snop  }
0x90: {  	s2 =	sld [smem:$0x3FC3];
	(tm) =	ssettm $0x1  }
0x91: {  	s18 =	sld [smem:$0x3FFB];
	_ =	sdelay $0x3  }
0x92: {  	_ =	strace s18  }
0x93: {  	s3 =	sld [smem:$0x3FFC];
	_ =	sdelay $0x3  }
0x94: {  	_ =	strace s3  }
0x95: {  	s3 =	sld [smem:$0x3FFD];
	_ =	sdelay $0x3  }
0x96: {  	_ =	strace s3  }
0x97: {  	_ =	strace $0x8FFFFFFF  }
0x98: {  	s19 =	sld [smem:$0x3FDB];
	_ =	sdelay $0x1  }
0x99: {  	s4 =	simm.s32 $_scs_section_size  }
0x9a: {  	s5 =	simm.s32 $_size__tile_overlayer_lowered;
	s6 =	simm.s32 $_tile_overlayer_lowered  }
0x9b: {  	s22 =	simm.s32 $0x1BFF;
	s21 =	sshll.u32 s6, $0x1;
	s3 =	sadd.s32 s4, s19  }
0x9c: {  	s7 =	simm.s32 $0x0;
	s20 =	sshll.u32 s5, $0x1;
	s5 =	sadd.s32 s21, s3  }
0x9d: {  	[timem:s7], [sflag:s22] =	dma.local [hbm:s5], s20  }
0x9e: {  	_ =	swait.ge [sflag:s22], s20  }
0x9f: {  	s4 =	ssub.s32 $0x0, s20;
	[sflag:s22] =	ssyncset.done $0x0  }
0xa0: {  	[sflag:s22] =	ssyncadd.s32 s4;
	_ =	sdelay $0x1  }
0xa1: {  	s23 =	simm.s32 $0x1B8B  }
0xa2: {  	_ =	swait.ge [sflag:s23], $0x1  }
0xa3: {  	[sflag:s23] =	ssyncset.done $0x0  }
0xa4: {  	s25 =	simm.s32 $0x1B8E;
	s24 =	sld [smem:$0x3FFE];
	[sflag:s23] =	ssyncadd.s32 $0xFFFFFFFF  }
0xa5: {  	s26 =	simm.s32 $execute0_lowered;
	[smem:$0x3FD2] =	sst s25  }
0xa6: {  	s5 =	sshll.u32 s26, $0x1;
	_ =	strace $0x8000004F;
	[dreg:$0x1] =	wrdreg $0xFFFFFFFF  }
0xa7: {  	s28 =	simm.s32 $_size_execute0_lowered;
	s3 =	sadd.s32 s3, s5;
	[dreg:$0x0] =	wrdreg $0x0  }
0xa8: {  	s5 =	sshll.u32 s28, $0x1;
	[dreg:$0x2] =	wrdreg s3  }
0xa9: {  	[dreg:$0x3] =	wrdreg s5  }
0xaa: {  	[dreg:$0x4] =	wrdreg $0xC0  }
0xab: {  	_ =	task [dreg:s7], $0x5FFFF  }
0xac: {  	[dreg:$0x1] =	wrdreg $0xFFFFFFFF  }
0xad: {  	[dreg:$0x0] =	wrdreg $0x60  }
0xae: {  	[dreg:$0x2] =	wrdreg s2  }
0xaf: {  	[dreg:$0x3] =	wrdreg s24  }
0xb0: {  	[dreg:$0x4] =	wrdreg $0x9  }
0xb1: {  	_ =	task.clear_ibuf [dreg:s7], $0x5FFFF;
	_ =	strace $0x9000004F  }
0xb2: {  	s29 =	simm.s32 $0x9;
	_ =	strace $0x80000051  }
0xb3: {  	_ =	swait.ge [sflag:s29], $0x1  }
0xb4: {  	[sflag:s29] =	ssyncadd.s32 $0xFFFFFFFF  }
0xb5: {  	_ =	strace $0x90000051  }
0xb6: {  	_ =	sfence  }
0xb7: {  	s30 =	sld [smem:$0x0];
	_ =	sdelay $0x2  }
0xb8: {  	s31 =	sshll.u32 s1, $0xD;
	s1 =	sshrl.u32 s1, $0x2  }
0xb9: {  	s3 =	sand.u32 $0x4000, s31;
	s1 =	sadd.s32 s1, s30  }
0xba: {  	s0 =	sor.u32 s3, s0;
	s1 =	sshll.u32 s1, $0x11  }
0xbb: {  	s0 =	sor.u32 s1, s0  }
0xbc: {  	s0 =	sadd.s32 $0x8F2B, s0  }
0xbd: {  	[sflag:s0] =	ssyncadd.remote.s32 $0x1  }
0xbe: {  	_ =	sfence.sel $0xFFFF  }
0xbf: {  	[dreg:$0x0] =	wrdreg $0xFFFFFFFF;
	(pc) =	sbr.abs _section_cstart, $3  }
0xc0: {  	[dreg:$0x1] =	wrdreg $0xFFFFFFFF  }
0xc1: {  	_ =	task.clear_ibuf [dreg:s7], $0x2FFFF;
	_ =	strace $0x9FFFFFFF  }
0xc2: {  	(tm) =	ssettm $0x7FFFFFFF  }
0xc3: {  	_ =	shalt  }
tec
execute0_lowered:
.L_overlay_start_1:
0x0: {  	(tag) =	ssettag $0x1  }
0x1: {  	s2 =	rddreg [dreg:$0x0]  }
0x2: {  	s0 =	stileid.u32;
	s1 =	srdreg.scid  }
0x3: {  	s3 =	rddreg [dreg:$0x1];
	s8 =	simm.s32 $0x1;
	s9 =	simm.s32 $0x3  }
0x4: {  	s10 =	simm.s32 $0x0;
	s4 =	sand.u32 $0x1, s1;
	s5 =	sshll.u32 s0, $0x1  }
0x5: {  	s13 =	simm.s32 $0x0;
	s12 =	simm.s32 $0x0;
	s6 =	sor.u32 s5, s4  }
0x6: {  	s1 =	rddreg [dreg:$0x2];
	_ =	strace $0x80000050;
	s4 =	smul.u32 $0xA0, s6  }
0x7: {  	s5 =	simm.s32 $0x1;
	p0 =	slt.u32 s6, $0x9;
	s6 =	simm.s32 $0x1400  }
.Ltmp0:
0x8: {  	s6 =	simm.s32 @!p0 $0x0;
	s7 =	ssub.s32 $0x1900, s4;
	(pc) =	sbr.rel .LBB2_1-.Ltmp0, $4  }
0x9: {  	s8 =	simm.s32 @!p0 $0x0;
	p0 =	sne.s32 s7, s6;
	s7 =	simm.s32 $0x1  }
0xa: {  	[sflag:s5] =	ssyncpa.u1 $0x0;
	s6 =	simm.s32 $0x2;
	s7 =	simm.s32 @!p0 $0x0  }
0xb: {  	s11 =	smov.u32 s4;
	[sflag:s6] =	ssyncpa.u1 $0x0;
	s7 =	sadd.s32 s8, s7  }
0xc: {  	vm0 =	vmmov $0xffff;
	s8 =	sadd.s32 $0x400, s3;
	[sflag:s9] =	ssyncpa.u1 $0x0;
	s9 =	sadd.s32 $0x1, s7  }
.LBB2_4:
0xd: {  	vm1 =	veq.s32 v4, $0x80000000;
	v56 =	vand.u32 $0x3, v4;
	v6 =	vand.u32 $0x3FFFF, v6  }
0xe: {  	v2 =	vor.u32 v2, v5;
	v59 =	vshrl.u32 v1, $0x2;
	v60 =	vand.u32 $0x3, v1  }
0xf: {  	v4 =	vsel vm1, $0xFFFFFFFF, v56;
	v6 =	vsel vm1, $0xFFFFFFFF, v6;
	v2 =	vor.u32 v3, v2  }
0x10: {  	vm1 =	veq.s32 v1, $0x80000000;
	v5 =	vand.u32 $0x3FFFF, v59;
	v7 =	vshrl.u32 v4, $0x2  }
0x11: {  	v57 =	vshll.u32 v6, $0x2;
	v4 =	vshll.u32 v4, $0x7;
	v1 =	vsel vm1, $0xFFFFFFFF, v60  }
0x12: {  	v5 =	vsel vm1, $0xFFFFFFFF, v5;
	v6 =	vand.u32 $0x7F, v6;
	v7 =	vmul.u32 $0xF4400, v7  }
0x13: {  	v58 =	vand.u32 $0xFFFFFE00, v57;
	v4 =	vand.u32 $0x180, v4;
	v61 =	vshrl.u32 v1, $0x2  }
0x14: {  	v62 =	vshll.u32 v5, $0x2;
	v3 =	vadd.s32 v7, v58;
	v7 =	vmul.u32 $0xF4400, v61  }
0x15: {  	v1 =	vshll.u32 v1, $0x7;
	v3 =	vor.u32 v4, v3;
	v4 =	vand.u32 $0xFFFFFE00, v62  }
0x16: {  	v1 =	vand.u32 $0x180, v1;
	v3 =	vor.u32 v6, v3;
	v4 =	vadd.s32 v7, v4  }
0x17: {  	[tilespmem:s16], [sflag:$0x1] =	stream.indirect_vreg.gather [hbm4b:s2+s10], $0x1, v0, vm0, $0x4038;
	v63 =	vand.u32 $0x7F, v5;
	v1 =	vor.u32 v1, v4;
	[tilespmem:$0x280] =	vst v63  }
0x18: {  	s15 =	sadd.s32 $0x10, s15;
	(ifvalue) =	ssetifvalue $0x7FFFFFFF;
	v0 =	vor.u32 v63, v1  }
0x19: {  	[tilespmem:s15], [sflag:$0x1] =	stream.indirect_vreg.gather [hbm4b:s2+s10], $0x1, v2, vm0, $0x4038;
	[tilespmem:$0x280] =	vst v63  }
0x1a: {  	s15 =	sadd.s32 $0x10, s15;
	(ifvalue) =	ssetifvalue $0x7FFFFFFF  }
0x1b: {  	[tilespmem:s15], [sflag:$0x1] =	stream.indirect_vreg.gather [hbm4b:s2+s10], $0x1, v3, vm0, $0x4038;
	[tilespmem:$0x280] =	vst v63  }
0x1c: {  	s15 =	sadd.s32 $0x10, s15;
	(ifvalue) =	ssetifvalue $0x7FFFFFFF  }
0x1d: {  	[tilespmem:s15], [sflag:$0x1] =	stream.indirect_vreg.gather [hbm4b:s2+s10], $0x1, v0, vm0, $0x4038;
	[tilespmem:$0x280] =	vst v63  }
0x1e: {  	_ =	swait.ge [sflag:s5], $0xA0  }
0x1f: {  	s30 =	sshrl.u32 s13, $0x3;
	[sflag:s5] =	ssyncset.done $0x0  }
0x20: {  	s31 =	sand.u32 $0x7, s13;
	s15 =	sadd.s32 s8, s30;
	[sflag:s5] =	ssyncadd.s32 $0xFFFFFF60  }
0x21: {  	[hbm4b:s15+s31] =	stream.linear.scatter [tilespmem:s14], [sflag:$0x3], $0xA0, $0x38;
	[tilespmem:$0x280] =	vst v63  }
.LBB2_5:
0x22: {  	s15 =	sadd.s32 $0x1400, s11  }
0x23: {  	p1 =	sgt.s32 s15, $0x18FF  }
0x24: {  	s15 =	smov.u32 @p1 s4;
	p1 =	sne.s32 s12, s9  }
.Ltmp1:
0x25: {  	p0 =	slt.u32 s12, $0x2;
	(pc) =	sbr.rel @!p1 .LBB2_6-.Ltmp1, $4  }
0x26: {  	s14 =	simm.s32 @!p0 $0x3  }
0x27: {  	_ =	swait.ge @!p0 [sflag:s14], $0xA0  }
0x28: {  	s16 =	sadd.s32 $0x1, s12;
	s13 =	smov.u32 s11;
	[sflag:s14] =	ssyncset.done @!p0 $0x0  }
0x29: {  	s12 =	smov.u32 s16;
	s11 =	smov.u32 s15;
	[sflag:s14] =	ssyncadd.s32 @!p0 $0xFFFFFF60  }
.LBB2_1:
0x2a: {  	p0 =	sge.u32 s12, s7  }
0x2b: {  	s14 =	sxor.u32 @!p0 $0x1, s12  }
0x2c: {  	s14 =	smul.u32 @!p0 $0x280, s14  }
0x2d: {  	s31 =	sadd.s32 $0xFFFFFFFF, s12;
	s15 =	sshrl.u32 @!p0 s11, $0x3  }
0x2e: {  	s16 =	sand.u32 @!p0 $0x7, s11;
	s15 =	sadd.s32 @!p0 s3, s15;
	s14 =	sshra.s32 @!p0 s14, $0x2  }
0x2f: {  	[tilespmem:s14], [sflag:$0x2] =	stream.linear.gather @!p0 [hbm4b:s15+s16], $0xA0, $0x38;
	[tilespmem:$0x280] =	vst v63  }
0x30: {  	p0 =	sge.u32 s31, s7  }
.Ltmp2:
0x31: {  	_ = 	snop;
	(pc) =	sbr.rel @p0 .LBB2_5-.Ltmp2, $1  }
0x32: {  	_ =	sdelay $0x3  }
0x33: {  	s14 =	sand.u32 $0x1, s12  }
0x34: {  	_ =	swait.ge [sflag:s6], $0xA0;
	p0 =	seq.s32 s14, $0x1;
	s14 =	simm.s32 $0xA0  }
0x35: {  	[sflag:s6] =	ssyncset.done $0x0;
	s14 =	simm.s32 @!p0 $0x0  }
0x36: {  	[sflag:s6] =	ssyncadd.s32 $0xFFFFFF60;
	(ifvalue) =	ssetifvalue $0x7FFFFFFF;
	v0 =	vld.msk [tilespmem:s14+$0x0 ss:$0x1], $0xffff  }
0x37: {  	s15 =	sadd.s32 $0x10, s14  }
0x38: {  	v1 =	vld.msk [tilespmem:s15+$0x0 ss:$0x1], $0xffff;
	_ =	sdelay $0x2  }
0x39: {  	v2 =	vshrl.u32 v0, $0x2  }
0x3a: {  	vm1 =	veq.s32 v0, $0x80000000;
	v0 =	vand.u32 $0x3, v0;
	v2 =	vand.u32 $0x3FFFF, v2  }
0x3b: {  	v0 =	vsel vm1, $0xFFFFFFFF, v0;
	v6 =	vshrl.u32 v1, $0x2;
	v2 =	vsel vm1, $0xFFFFFFFF, v2  }
0x3c: {  	v3 =	vshrl.u32 v0, $0x2;
	v0 =	vshll.u32 v0, $0x7;
	vm1 =	veq.s32 v1, $0x80000000  }
0x3d: {  	s15 =	sadd.s32 $0x10, s15;
	v1 =	vand.u32 $0x3, v1;
	v4 =	vshll.u32 v2, $0x2;
	v3 =	vmul.u32 $0xF4400, v3  }
0x3e: {  	v0 =	vand.u32 $0x180, v0;
	v7 =	vand.u32 $0x7F, v2;
	v5 =	vand.u32 $0xFFFFFE00, v4;
	v4 =	vld.msk [tilespmem:s15+$0x0 ss:$0x1], $0xffff  }
0x3f: {  	v1 =	vsel vm1, $0xFFFFFFFF, v1;
	v2 =	vadd.s32 v3, v5;
	v3 =	vand.u32 $0x3FFFF, v6  }
0x40: {  	v3 =	vsel vm1, $0xFFFFFFFF, v3;
	v0 =	vor.u32 v0, v2;
	v2 =	vshrl.u32 v1, $0x2  }
0x41: {  	v1 =	vshll.u32 v1, $0x7;
	v5 =	vshll.u32 v3, $0x2;
	v8 =	vmul.u32 $0xF4400, v2  }
0x42: {  	s18 =	simm.s32 $0x30;
	s14 =	sor.u32 $0x140, s14;
	s17 =	sadd.s32 $0x10, s15;
	v2 =	vand.u32 $0x180, v1;
	v0 =	vor.u32 v7, v0;
	v5 =	vand.u32 $0xFFFFFE00, v5  }
0x43: {  	s16 =	smov.u32 s14;
	s15 =	smov.u32 s14;
	v1 =	vld.msk [tilespmem:s17+$0x0 ss:$0x1], $0xffff;
	v3 =	vand.u32 $0x7F, v3;
	(ifvalue) =	ssetifvalue $0x7FFFFFFF;
	v6 =	vshrl.u32 v4, $0x2;
	v5 =	vadd.s32 v8, v5  }
.LBB2_3:
0x44: {  	s18 =	sadd.s32 $0x10, s18  }
0x45: {  	vm1 =	veq.s32 v4, $0x80000000;
	v4 =	vand.u32 $0x3, v4;
	v6 =	vand.u32 $0x3FFFF, v6;
	s15 =	sadd.s32 $0x10, s15;
	p0 =	slt.u32 s18, $0x90  }
.Ltmp3:
0x46: {  	v5 =	vor.u32 v2, v5;
	v4 =	vsel vm1, $0xFFFFFFFF, v4;
	v7 =	vsel vm1, $0xFFFFFFFF, v6;
	(pc) =	sbr.rel @p0 .LBB2_3-.Ltmp3, $4  }
0x47: {  	v2 =	vshrl.u32 v4, $0x2;
	v6 =	vshll.u32 v7, $0x2;
	v4 =	vshll.u32 v4, $0x7;
	[tilespmem:s16], [sflag:$0x1] =	stream.indirect_vreg.gather [hbm4b:s2+s10], $0x1, v0, vm0, $0x4038;
	[tilespmem:$0x280] =	vst v63  }
0x48: {  	v0 =	vor.u32 v3, v5;
	s16 =	smov.u32 s15;
	v8 =	vmul.u32 $0xF4400, v2;
	v2 =	vand.u32 $0x180, v4  }
0x49: {  	s17 =	sadd.s32 $0x10, s17;
	v9 =	vand.u32 $0xFFFFFE00, v6  }
0x4a: {  	v3 =	vand.u32 $0x7F, v7;
	v6 =	vshrl.u32 v1, $0x2;
	v5 =	vadd.s32 v8, v9;
	(ifvalue) =	ssetifvalue $0x7FFFFFFF;
	v4 =	vmovc v1;
	v1 =	vld.msk [tilespmem:s17+$0x0 ss:$0x1], $0xffff  }
.Ltmp4:
0x4b: {  	_ = 	snop;
	(pc) =	sbr.rel .LBB2_4-.Ltmp4, $1  }
0x4c: {  	_ =	sdelay $0x3  }
.LBB2_6:
0x4d: {  	_ =	sfence.sel $0x180000  }
0x4e: {  	s2 =	simm.s32 $0x2;
	[bflag:$0x0] =	sbarrier.arrive $0xFFFF  }
0x4f: {  	s30 =	simm.s32 $0x3;
	[sflag:s2] =	ssyncpa.u1 $0x1  }
0x50: {  	s31 =	simm.s32 $0x1;
	[sflag:s30] =	ssyncpa.u1 $0x1  }
0x51: {  	[sflag:s31] =	ssyncpa.u1 $0x1  }
0x52: {  	p0 =	sne.s32 s0, $0x0;
	_ =	strace $0x90000050  }
0x53: {  	s0 =	sadd.s32 @!p0 $0x100000, s1;
	[bflag:$0x2] =	sbarrier.arrive $0xFFFF  }
0x54: {  	[sflag:s0] =	ssyncadd.tile.s32 @!p0 $0x1;
	_ =	shalt  }
.Lfunc_end2:
_tile_overlayer_lowered:
.L_overlay_start_2:
0x55: {  	(tag) =	ssettag $0x2  }
0x56: {  	s0 =	rddreg [dreg:$0x0];
	s2 =	stileid.u32  }
0x57: {  	s1 =	rddreg [dreg:$0x1];
	p0 =	sne.s32 s2, $0x0  }
0x58: {  	s3 =	rddreg [dreg:$0x2];
	[bflag:$0x3] =	sbarrier.arrive $0xFFFF;
	s2 =	simm.s32 @!p0 $0x1C01  }
0x59: {  	[timem:s3], [sflag:s2] =	dma.local @!p0 [hbm:s0], s1  }
0x5a: {  	s0 =	simm.s32 @!p0 $0x1  }
0x5b: {  	_ =	swait.ge @!p0 [sflag:s0], s1  }
0x5c: {  	s1 =	ssub.s32 @!p0 $0x0, s1;
	[sflag:s0] =	ssyncset.done @!p0 $0x0  }
0x5d: {  	[sflag:s0] =	ssyncadd.s32 @!p0 s1  }
0x5e: {  	[bflag:$0x3] =	sbarrier.arrive $0xFFFF  }
0x5f: {  	_ =	shalt  }

// kernel: gather_offload_async_start
scs
__scs_entry_jumppad:
0x0: {  	(pc) =	sbr.rel $0x88, $3  }
0x1: {  	(tag) =	ssettag $0x0;
	lr =	simm.s32 $0x1  }
0x2: {  	[smem:$0x3F9A] =	sst lr;
	_ =	strace $0xD0000000  }
0x3: {  	_ = 	snop  }
0x4: {  	_ = 	snop  }
0x5: {  	_ = 	snop  }
0x6: {  	_ = 	snop  }
0x7: {  	_ = 	snop  }
__scs_overlays_trampoline_lowered:
0x8: {  	[smem:$0x3FA9] =	sst s0  }
0x9: {  	[smem:$0x3FAA] =	sst s1  }
0xa: {  	[smem:$0x3FAB] =	sst s2  }
0xb: {  	[smem:$0x3FAC] =	sst s3  }
0xc: {  	[smem:$0x3FAD] =	sst s4  }
0xd: {  	[smem:$0x3FAE] =	sst s5  }
0xe: {  	[smem:$0x3FAF] =	sst s6  }
0xf: {  	[smem:$0x3FB0] =	sst s7  }
0x10: {  	[smem:$0x3FB1] =	sst s8  }
0x11: {  	[smem:$0x3FB2] =	sst s9;
	s0 =	simm.s32 @!p0 $0x0  }
0x12: {  	s1 =	sld [smem:$0x3F98];
	s0 =	simm.s32 @p0 $0x1  }
0x13: {  	[smem:$0x3FB3] =	sst s0;
	s0 =	simm.s32 @!p1 $0x0  }
0x14: {  	s2 =	sld [smem:$0x3F97];
	s0 =	simm.s32 @p1 $0x1  }
0x15: {  	[smem:$0x3FB4] =	sst s0;
	s0 =	simm.s32 @!p2 $0x0  }
0x16: {  	s3 =	sld [smem:$0x3FDB];
	s0 =	simm.s32 @p2 $0x1  }
0x17: {  	s4 =	simm.s32 $0x1BF5;
	[smem:$0x3FB6] =	sst s0  }
0x18: {  	s0 =	sld [smem:$0x3F99];
	_ =	swait.ge [sflag:s4], $0x0  }
0x19: {  	s7 =	sld [smem:$0x3F9A]  }
0x1a: {  	s8 =	sadd.s32 $0xFFFFE003, lr  }
0x1b: {  	s9 =	sadd.s32 $0xFFFFFEF7, lr;
	s5 =	simm.s32 $0xFFFFFFFF;
	p2 =	slt.u32 s8, $0xFFFFF086  }
0x1c: {  	p1 =	slt.u32 s9, $0xF7A;
	s5 =	simm.s32 @!p2 $0x0  }
0x1d: {  	s5 =	simm.s32 @p1 $0x1;
	p0 =	seq.s32 s7, s2  }
0x1e: {  	s7 =	smul.u32 @!p0 $0xF7A, s2;
	p2 =	seq.s32 @!p0 s5, $0x0  }
0x1f: {  	s9 =	smul.u32 $0xF7A, s1;
	s8 =	simm.s32 @!p0 $0x1BF5;
	p2 =	por !p2, p0  }
0x20: {  	[sflag:s8] =	ssyncset.s32 @!p0 $0xFFFFF086;
	s6 =	sadd.s32 @!p0 s3, s7;
	s7 =	simm.s32 @!p0 $0x108  }
0x21: {  	s3 =	sadd.s32 s3, s9;
	s6 =	sadd.s32 @!p0 $0x88, s6;
	s7 =	simm.s32 @p2 $0x1082  }
0x22: {  	[simem:s7], [sflag:s8] =	dma.local @!p0 [hbm:s6], $0xF7A  }
0x23: {  	s9 =	sor.u32 $0xD0000000, s2;
	s6 =	simm.s32 $0x108;
	_ =	swait.ge @!p0 [sflag:s8], $0x0  }
0x24: {  	s3 =	sadd.s32 $0x88, s3;
	s6 =	simm.s32 @!p1 $0x1082;
	[sflag:s4] =	ssyncset.s32 $0xFFFFF086  }
0x25: {  	[simem:s6], [sflag:s4] =	dma.local [hbm:s3], $0xF7A  }
0x26: {  	[smem:$0x3F9A] =	sst s1;
	(tag) =	ssettag s2;
	_ =	strace s9  }
0x27: {  	s1 =	sld [smem:$0x3FAA]  }
0x28: {  	s2 =	sld [smem:$0x3FAB]  }
0x29: {  	s4 =	sld [smem:$0x3FAD]  }
0x2a: {  	p0 =	seq.s32 s5, $0x0;
	s5 =	sld [smem:$0x3FAE]  }
0x2b: {  	s6 =	sld [smem:$0x3FAF]  }
0x2c: {  	s7 =	sld [smem:$0x3FB0]  }
0x2d: {  	s3 =	simm.s32 $0x108;
	s8 =	sld [smem:$0x3FB1]  }
0x2e: {  	s3 =	simm.s32 @!p0 $0x1082;
	s9 =	sld [smem:$0x3FB2]  }
0x2f: {  	lr =	sadd.s32 s0, s3;
	s0 =	sld [smem:$0x3FA9]  }
0x30: {  	s3 =	sld [smem:$0x3FAC]  }
0x31: {  	[smem:$0x3FB5] =	sst s10  }
0x32: {  	s10 =	sld [smem:$0x3FB3];
	_ =	sdelay $0x3  }
0x33: {  	p0 =	seq.s32 s10, $0x1;
	s10 =	sld [smem:$0x3FB5];
	_ =	sdelay $0x3  }
0x34: {  	[smem:$0x3FB5] =	sst s10  }
0x35: {  	s10 =	sld [smem:$0x3FB4];
	_ =	sdelay $0x3  }
0x36: {  	p1 =	seq.s32 s10, $0x1;
	s10 =	sld [smem:$0x3FB5];
	_ =	sdelay $0x3  }
0x37: {  	[smem:$0x3FB5] =	sst s10  }
0x38: {  	s10 =	sld [smem:$0x3FB6]  }
0x39: {  	_ = 	snop;
	(pc) =	sbr.ind lr, $3  }
0x3a: {  	_ = 	snop  }
0x3b: {  	_ = 	snop  }
0x3c: {  	p2 =	seq.s32 s10, $0x1;
	s10 =	sld [smem:$0x3FB5]  }
0x3d: {  	_ =	shalt  }
0x3e: {  	_ =	shalt  }
0x3f: {  	_ =	shalt  }
0x40: {  	_ =	shalt  }
0x41: {  	_ =	shalt  }
0x42: {  	_ =	shalt  }
0x43: {  	_ =	shalt  }
0x44: {  	_ =	shalt  }
0x45: {  	_ =	shalt  }
0x46: {  	_ =	shalt  }
0x47: {  	_ =	shalt  }
0x48: {  	_ =	shalt  }
0x49: {  	_ =	shalt  }
0x4a: {  	_ =	shalt  }
0x4b: {  	_ =	shalt  }
0x4c: {  	_ =	shalt  }
0x4d: {  	_ =	shalt  }
0x4e: {  	_ =	shalt  }
0x4f: {  	_ =	shalt  }
0x50: {  	_ =	shalt  }
0x51: {  	_ =	shalt  }
0x52: {  	_ =	shalt  }
0x53: {  	_ =	shalt  }
0x54: {  	_ =	shalt  }
0x55: {  	_ =	shalt  }
0x56: {  	_ =	shalt  }
0x57: {  	_ =	shalt  }
0x58: {  	_ =	shalt  }
0x59: {  	_ =	shalt  }
0x5a: {  	_ =	shalt  }
0x5b: {  	_ =	shalt  }
0x5c: {  	_ =	shalt  }
0x5d: {  	_ =	shalt  }
0x5e: {  	_ =	shalt  }
0x5f: {  	_ =	shalt  }
0x60: {  	_ =	shalt  }
0x61: {  	_ =	shalt  }
0x62: {  	_ =	shalt  }
0x63: {  	_ =	shalt  }
0x64: {  	_ =	shalt  }
0x65: {  	_ =	shalt  }
0x66: {  	_ =	shalt  }
0x67: {  	_ =	shalt  }
0x68: {  	_ =	shalt  }
0x69: {  	_ =	shalt  }
0x6a: {  	_ =	shalt  }
0x6b: {  	_ =	shalt  }
0x6c: {  	_ =	shalt  }
0x6d: {  	_ =	shalt  }
0x6e: {  	_ =	shalt  }
0x6f: {  	_ =	shalt  }
0x70: {  	_ =	shalt  }
0x71: {  	_ =	shalt  }
0x72: {  	_ =	shalt  }
0x73: {  	_ =	shalt  }
0x74: {  	_ =	shalt  }
0x75: {  	_ =	shalt  }
0x76: {  	_ =	shalt  }
0x77: {  	_ =	shalt  }
0x78: {  	_ =	shalt  }
0x79: {  	_ =	shalt  }
0x7a: {  	_ =	shalt  }
0x7b: {  	_ =	shalt  }
0x7c: {  	_ =	shalt  }
0x7d: {  	_ =	shalt  }
0x7e: {  	_ =	shalt  }
0x7f: {  	_ =	shalt  }
0x80: {  	_ =	shalt  }
0x81: {  	_ =	shalt  }
0x82: {  	_ =	shalt  }
0x83: {  	_ =	shalt  }
0x84: {  	_ =	shalt  }
0x85: {  	_ =	shalt  }
0x86: {  	_ =	shalt  }
0x87: {  	_ =	shalt  }
.Lfunc_end0:
.L_simem_size_0:
called_computation.1_lowered:
.L_overlay_start_0:
0x88: {  	s2 =	sld [smem:$0x3FD9]  }
0x89: {  	s3 =	sld [smem:$0x3FFE];
	_ =	sdelay $0x1  }
0x8a: {  	s1 =	srdreg.scid  }
0x8b: {  	s0 =	sand.u32 $0x1, s1  }
0x8c: {  	s14 =	sshll.u32 s0, $0xA;
	s2 =	sadd.s32 s3, s2  }
0x8d: {  	s2 =	sadd.s32 s2, s14  }
0x8e: {  	[smem:$0x3FC1] =	sst s2  }
0x8f: {  	_ = 	snop  }
0x90: {  	s2 =	sld [smem:$0x3FD0];
	_ =	sdelay $0x2  }
0x91: {  	s15 =	simm.s32 $0xA;
	s4 =	simm.s32 $0x10  }
0x92: {  	[smem:s4], [sflag:s15] =	dma.local [hbm:s2], $0x1  }
0x93: {  	_ =	swait.eq [sflag:s15], $0x1  }
0x94: {  	[sflag:s15] =	ssyncset.done $0x0  }
0x95: {  	[sflag:s15] =	ssyncadd.s32 $0xFFFFFFFF  }
0x96: {  	s16 =	sld [smem:$0x13];
	(tm) =	ssettm $0x1  }
0x97: {  	s17 =	sld [smem:$0x3FFB];
	_ =	sdelay $0x3  }
0x98: {  	_ =	strace s17  }
0x99: {  	s3 =	sld [smem:$0x3FFC];
	_ =	sdelay $0x3  }
0x9a: {  	_ =	strace s3  }
0x9b: {  	s3 =	sld [smem:$0x3FFD];
	_ =	sdelay $0x3  }
0x9c: {  	_ =	strace s3  }
0x9d: {  	_ =	strace $0x8FFFFFFF  }
0x9e: {  	s18 =	sld [smem:$0x3FDB];
	_ =	sdelay $0x1  }
0x9f: {  	s19 =	simm.s32 $_scs_section_size  }
0xa0: {  	s5 =	simm.s32 $_size__tile_overlayer_lowered;
	s6 =	simm.s32 $_tile_overlayer_lowered  }
0xa1: {  	s22 =	simm.s32 $0x1BFF;
	s21 =	sshll.u32 s6, $0x1;
	s3 =	sadd.s32 s19, s18  }
0xa2: {  	s7 =	simm.s32 $0x0;
	s20 =	sshll.u32 s5, $0x1;
	s5 =	sadd.s32 s21, s3  }
0xa3: {  	[timem:s7], [sflag:s22] =	dma.local [hbm:s5], s20  }
0xa4: {  	_ =	swait.ge [sflag:s22], s20  }
0xa5: {  	s4 =	ssub.s32 $0x0, s20;
	[sflag:s22] =	ssyncset.done $0x0  }
0xa6: {  	[sflag:s22] =	ssyncadd.s32 s4;
	_ =	sdelay $0x1  }
0xa7: {  	s23 =	simm.s32 $0x1B8B  }
0xa8: {  	_ =	swait.ge [sflag:s23], $0x1  }
0xa9: {  	[sflag:s23] =	ssyncset.done $0x0  }
0xaa: {  	s25 =	simm.s32 $0x1B8E;
	s24 =	sld [smem:$0x3FFE];
	[sflag:s23] =	ssyncadd.s32 $0xFFFFFFFF  }
0xab: {  	s26 =	simm.s32 $execute0_lowered;
	[smem:$0x3FD2] =	sst s25  }
0xac: {  	s5 =	sshll.u32 s26, $0x1;
	_ =	strace $0x80000049;
	[dreg:$0x1] =	wrdreg $0xFFFFFFFF  }
0xad: {  	s28 =	simm.s32 $_size_execute0_lowered;
	s3 =	sadd.s32 s3, s5;
	[dreg:$0x0] =	wrdreg $0x0  }
0xae: {  	s5 =	sshll.u32 s28, $0x1;
	[dreg:$0x2] =	wrdreg s3  }
0xaf: {  	[dreg:$0x3] =	wrdreg s5  }
0xb0: {  	[dreg:$0x4] =	wrdreg $0xC0  }
0xb1: {  	_ =	task [dreg:s7], $0x5FFFF  }
0xb2: {  	[dreg:$0x1] =	wrdreg $0xFFFFFFFF  }
0xb3: {  	[dreg:$0x0] =	wrdreg $0x60  }
0xb4: {  	[dreg:$0x2] =	wrdreg s24  }
0xb5: {  	[dreg:$0x3] =	wrdreg s16  }
0xb6: {  	[dreg:$0x4] =	wrdreg $0x9  }
0xb7: {  	_ =	task.clear_ibuf [dreg:s7], $0x5FFFF;
	_ =	strace $0x90000049  }
0xb8: {  	s29 =	simm.s32 $0x9;
	_ =	strace $0x8000004B  }
0xb9: {  	_ =	swait.ge [sflag:s29], $0x1  }
0xba: {  	[sflag:s29] =	ssyncadd.s32 $0xFFFFFFFF  }
0xbb: {  	_ =	strace $0x9000004B  }
0xbc: {  	_ =	sfence  }
0xbd: {  	s30 =	sld [smem:$0x0];
	_ =	sdelay $0x2  }
0xbe: {  	s31 =	sshll.u32 s1, $0xD;
	s1 =	sshrl.u32 s1, $0x2  }
0xbf: {  	s3 =	sand.u32 $0x4000, s31;
	s1 =	sadd.s32 s1, s30  }
0xc0: {  	s0 =	sor.u32 s3, s0;
	s1 =	sshll.u32 s1, $0x11  }
0xc1: {  	s0 =	sor.u32 s1, s0  }
0xc2: {  	s0 =	sadd.s32 $0x8F2B, s0  }
0xc3: {  	[sflag:s0] =	ssyncadd.remote.s32 $0x1  }
0xc4: {  	_ =	sfence.sel $0xFFFF  }
0xc5: {  	[dreg:$0x0] =	wrdreg $0xFFFFFFFF;
	(pc) =	sbr.abs _section_cstart, $3  }
0xc6: {  	[dreg:$0x1] =	wrdreg $0xFFFFFFFF  }
0xc7: {  	_ =	task.clear_ibuf [dreg:s7], $0x2FFFF;
	_ =	strace $0x9FFFFFFF  }
0xc8: {  	(tm) =	ssettm $0x7FFFFFFF  }
0xc9: {  	_ =	shalt  }
tec
execute0_lowered:
.L_overlay_start_1:
0x0: {  	(tag) =	ssettag $0x1  }
0x1: {  	s0 =	srdreg.scid  }
0x2: {  	s1 =	sshll.u32 s0, $0x4  }
0x3: {  	s0 =	stileid.u32;
	s1 =	sand.u32 $0x10, s1  }
0x4: {  	s2 =	sor.u32 s0, s1  }
0x5: {  	s1 =	smin.u32 s2, $0x8  }
0x6: {  	s1 =	sadd.s32 s2, s1  }
0x7: {  	p0 =	slt.u32 s2, $0x8;
	s2 =	simm.s32 $0x140;
	s1 =	smul.u32 $0xA0, s1  }
0x8: {  	s2 =	simm.s32 @!p0 $0xA0  }
0x9: {  	s2 =	sadd.s32 s2, s1  }
0xa: {  	s3 =	smin.u32 s2, $0x1900  }
0xb: {  	s7 =	ssub.s32 s3, s1  }
0xc: {  	p0 =	sgt.s32 s7, $0x0  }
0xd: {  	s7 =	simm.s32 @!p0 $0x0  }
0xe: {  	s4 =	rddreg [dreg:$0x0];
	s31 =	smul.u32 $0xCCCD, s7  }
0xf: {  	s5 =	rddreg [dreg:$0x1]  }
0x10: {  	s6 =	simm.s32 $0x1;
	s10 =	simm.s32 $0x3;
	s8 =	sshrl.u32 s31, $0x17  }
0x11: {  	s13 =	simm.s32 $0x0;
	s12 =	simm.s32 $0x0;
	s9 =	smul.u32 $0xA0, s8  }
.Ltmp0:
0x12: {  	s11 =	smov.u32 s1;
	s2 =	rddreg [dreg:$0x2];
	(pc) =	sbr.rel .LBB2_1-.Ltmp0, $4  }
0x13: {  	_ =	strace $0x8000004A;
	p0 =	sne.s32 s7, s9;
	s9 =	simm.s32 $0x1  }
0x14: {  	[sflag:s6] =	ssyncpa.u1 $0x0;
	s7 =	simm.s32 $0x2;
	s9 =	simm.s32 @!p0 $0x0  }
0x15: {  	[sflag:s7] =	ssyncpa.u1 $0x0;
	p0 =	por $0x0, $0x0;
	s8 =	sadd.s32 s8, s9  }
0x16: {  	vm0 =	vmmov $0xff;
	vm1 =	vcmask $0x3F20;
	s9 =	sadd.s32 $0x3D800, s4;
	[sflag:s10] =	ssyncpa.u1 $0x0;
	s10 =	sadd.s32 $0x1, s8  }
.LBB2_6:
0x17: {  	[hbm:s17] =	stream.linear.scatter [tilespmem:s14], [sflag:$0x3], $0x400, $0x38;
	[tilespmem:$0xA140] =	vst v63  }
.LBB2_7:
0x18: {  	s13 =	sadd.s32 $0xA0, s11  }
0x19: {  	s15 =	smov.u32 s1;
	p2 =	slt.s32 s13, s3  }
0x1a: {  	s15 =	smov.u32 @p2 s13;
	p2 =	sne.s32 s12, s10  }
.Ltmp1:
0x1b: {  	p1 =	slt.u32 s12, $0x2;
	(pc) =	sbr.rel @!p2 .LBB2_8-.Ltmp1, $4  }
0x1c: {  	s14 =	simm.s32 @!p1 $0x3  }
0x1d: {  	s16 =	sadd.s32 $0x1, s12;
	_ =	swait.ge @!p1 [sflag:s14], $0x5000  }
0x1e: {  	p0 =	por !p0, !p0;
	s13 =	smov.u32 s11;
	[sflag:s14] =	ssyncset.done @!p1 $0x0  }
0x1f: {  	s12 =	smov.u32 s16;
	s11 =	smov.u32 s15;
	[sflag:s14] =	ssyncadd.s32 @!p1 $0xFFFFB000  }
.LBB2_1:
0x20: {  	p1 =	sge.u32 s12, s8  }
0x21: {  	s14 =	sxor.u32 @!p1 $0xFFFFFFFF, s12  }
0x22: {  	s14 =	sand.u32 @!p1 $0x1, s14  }
0x23: {  	s14 =	smul.u32 @!p1 $0x280, s14  }
0x24: {  	s31 =	sadd.s32 $0xFFFFFFFF, s12;
	s15 =	sshrl.u32 @!p1 s11, $0x3  }
0x25: {  	s16 =	sand.u32 @!p1 $0x7, s11;
	s15 =	sadd.s32 @!p1 s5, s15;
	s14 =	sshrl.u32 @!p1 s14, $0x2  }
0x26: {  	[tilespmem:s14], [sflag:$0x2] =	stream.linear.gather @!p1 [hbm4b:s15+s16], $0xA0, $0x38;
	[tilespmem:$0xA140] =	vst v63  }
0x27: {  	p1 =	sge.u32 s31, s8  }
.Ltmp2:
0x28: {  	_ = 	snop;
	(pc) =	sbr.rel @p1 .LBB2_7-.Ltmp2, $1  }
0x29: {  	_ =	sdelay $0x3  }
0x2a: {  	s14 =	simm.s32 $0x1  }
0x2b: {  	s14 =	simm.s32 @!p0 $0x0  }
0x2c: {  	s15 =	smul.u32 $0x280, s14  }
0x2d: {  	_ =	swait.ge [sflag:s7], $0xA0  }
0x2e: {  	[sflag:s7] =	ssyncset.done $0x0;
	s16 =	sshrl.u32 s15, $0x2  }
0x2f: {  	[sflag:s7] =	ssyncadd.s32 $0xFFFFFF60;
	s15 =	sadd.s32 $0x0, s16  }
0x30: {  	v0 =	vld.msk [tilespmem:s15+$0x0 ss:$0x1], $0xffff;
	_ =	sdelay $0x4  }
0x31: {  	v1 =	vshrl.u32 v0, $0x2  }
0x32: {  	v2 =	vand.u32 $0x3, v0;
	v1 =	vand.u32 $0x1F, v1  }
0x33: {  	v2 =	vmul.u32 $0x7B0000, v2;
	v1 =	vmul.u32 $0x3D800, v1  }
0x34: {  	vm2 =	veq.s32 v0, $0x80000000;
	v0 =	vand.u32 $0x3FF80, v0  }
0x35: {  	v0 =	vsel vm2, $0xFFFFFF80, v0;
	v1 =	vadd.s32 v2, v1  }
0x36: {  	v2 =	vand.u32 $0xFFFFFC00, v0;
	v1 =	vsel vm2, $0xFF812800, v1  }
0x37: {  	v0 =	vand.u32 $0x380, v0;
	v1 =	vadd.s32 v2, v1  }
0x38: {  	v0 =	vor.u32 v0, v1  }
0x39: {  	v0 =	vshrl.u32 v0, $0x3  }
0x3a: {  	s14 =	smul.u32 $0x14000, s14;
	_ =	sdelay $0x1  }
0x3b: {  	s14 =	sshrl.u32 s14, $0x2  }
0x3c: {  	s14 =	sor.u32 $0x140, s14  }
0x3d: {  	[tilespmem:s14], [sflag:$0x1] =	stream.indirect_vreg.gather [hbm:s9], $0x80, v0, vm0, $0x38;
	[tilespmem:$0xA140] =	vst v63  }
0x3e: {  	s17 =	sadd.s32 $0x10, s16;
	s15 =	sadd.s32 $0x400, s14  }
0x3f: {  	[tilespmem:s15], [sflag:$0x1] =	stream.indirect_vreg.gather [hbm:s9], $0x80, v0, vm1, $0x38;
	[tilespmem:$0xA140] =	vst v63  }
0x40: {  	s18 =	simm.s32 $0x80;
	v0 =	vld.msk [tilespmem:s17+$0x0 ss:$0x1], $0xffff;
	s17 =	smov.u32 s14  }
.LBB2_3:
0x41: {  	p1 =	sne.s32 s18, $0x240;
	_ =	sdelay $0x4  }
0x42: {  	v1 =	vshrl.u32 v0, $0x2  }
0x43: {  	v2 =	vand.u32 $0x3, v0;
	v1 =	vand.u32 $0x1F, v1  }
0x44: {  	v2 =	vmul.u32 $0x7B0000, v2;
	v1 =	vmul.u32 $0x3D800, v1  }
0x45: {  	vm2 =	veq.s32 v0, $0x80000000;
	v0 =	vand.u32 $0x3FF80, v0  }
0x46: {  	v0 =	vsel vm2, $0xFFFFFF80, v0;
	v1 =	vadd.s32 v2, v1  }
0x47: {  	v2 =	vand.u32 $0xFFFFFC00, v0;
	v1 =	vsel vm2, $0xFF812800, v1  }
0x48: {  	v0 =	vand.u32 $0x380, v0;
	v1 =	vadd.s32 v2, v1  }
0x49: {  	v0 =	vor.u32 v0, v1  }
0x4a: {  	v0 =	vshrl.u32 v0, $0x3;
	_ =	sdelay $0x3  }
.Ltmp3:
0x4b: {  	s19 =	sshra.s32 s18, $0x2;
	s17 =	sadd.s32 $0x800, s17;
	(pc) =	sbr.rel @p1 .LBB2_3-.Ltmp3, $4  }
0x4c: {  	[tilespmem:s17], [sflag:$0x1] =	stream.indirect_vreg.gather [hbm:s9], $0x80, v0, vm0, $0x38;
	[tilespmem:$0xA140] =	vst v63  }
0x4d: {  	s19 =	sadd.s32 s19, s16;
	s20 =	sadd.s32 $0x400, s17  }
0x4e: {  	[tilespmem:s20], [sflag:$0x1] =	stream.indirect_vreg.gather [hbm:s9], $0x80, v0, vm1, $0x38;
	[tilespmem:$0xA140] =	vst v63  }
0x4f: {  	s18 =	sadd.s32 $0x40, s18;
	v0 =	vld.msk [tilespmem:s19+$0x0 ss:$0x1], $0xffff  }
0x50: {  	_ =	sdelay $0x3  }
0x51: {  	v1 =	vshrl.u32 v0, $0x2  }
0x52: {  	v2 =	vand.u32 $0x3, v0;
	v1 =	vand.u32 $0x1F, v1  }
0x53: {  	v2 =	vmul.u32 $0x7B0000, v2;
	v1 =	vmul.u32 $0x3D800, v1  }
0x54: {  	vm2 =	veq.s32 v0, $0x80000000;
	v62 =	vand.u32 $0x3FF80, v0  }
0x55: {  	v0 =	vsel vm2, $0xFFFFFF80, v62;
	v1 =	vadd.s32 v2, v1  }
0x56: {  	v63 =	vand.u32 $0xFFFFFC00, v0;
	v1 =	vsel vm2, $0xFF812800, v1  }
0x57: {  	v0 =	vand.u32 $0x380, v0;
	v1 =	vadd.s32 v63, v1  }
0x58: {  	v0 =	vor.u32 v0, v1  }
0x59: {  	v0 =	vshrl.u32 v0, $0x3;
	_ =	sdelay $0x3  }
0x5a: {  	s16 =	sadd.s32 $0x800, s17  }
0x5b: {  	[tilespmem:s16], [sflag:$0x1] =	stream.indirect_vreg.gather [hbm:s9], $0x80, v0, vm0, $0x38;
	[tilespmem:$0xA140] =	vst v63  }
0x5c: {  	s16 =	sadd.s32 $0x400, s16  }
0x5d: {  	[tilespmem:s16], [sflag:$0x1] =	stream.indirect_vreg.gather [hbm:s9], $0x80, v0, vm1, $0x38;
	[tilespmem:$0xA140] =	vst v63  }
0x5e: {  	s13 =	sshll.u32 s13, $0x4;
	_ =	swait.ge [sflag:s6], $0x5000  }
0x5f: {  	s13 =	sadd.s32 s13, s4;
	[sflag:s6] =	ssyncset.done $0x0  }
0x60: {  	s17 =	sadd.s32 $0x0, s13;
	s16 =	simm.s32 $0x80;
	[sflag:s6] =	ssyncadd.s32 $0xFFFFB000  }
.LBB2_5:
0x61: {  	[hbm:s17] =	stream.linear.scatter [tilespmem:s14], [sflag:$0x3], $0x400, $0x38;
	[tilespmem:$0xA140] =	vst v63  }
0x62: {  	s17 =	smov.u32 s16;
	s14 =	smov.u32 s15;
	p1 =	sne.s32 s16, $0x980  }
.Ltmp4:
0x63: {  	s16 =	sadd.s32 $0x80, s16;
	(pc) =	sbr.rel @p1 .LBB2_5-.Ltmp4, $2  }
0x64: {  	_ =	sdelay $0x2  }
0x65: {  	s15 =	sadd.s32 $0x400, s15;
	s17 =	sadd.s32 s17, s13  }
.Ltmp5:
0x66: {  	_ = 	snop;
	(pc) =	sbr.rel .LBB2_6-.Ltmp5, $1  }
0x67: {  	_ =	sdelay $0x3  }
.LBB2_8:
0x68: {  	_ =	sfence.sel $0x180000  }
0x69: {  	s1 =	simm.s32 $0x2;
	[bflag:$0x0] =	sbarrier.arrive $0xFFFF  }
0x6a: {  	s30 =	simm.s32 $0x3;
	[sflag:s1] =	ssyncpa.u1 $0x1  }
0x6b: {  	s31 =	simm.s32 $0x1;
	[sflag:s30] =	ssyncpa.u1 $0x1  }
0x6c: {  	[sflag:s31] =	ssyncpa.u1 $0x1  }
0x6d: {  	p0 =	sne.s32 s0, $0x0;
	_ =	strace $0x9000004A  }
0x6e: {  	s0 =	sadd.s32 @!p0 $0x100000, s2;
	[bflag:$0x2] =	sbarrier.arrive $0xFFFF  }
0x6f: {  	[sflag:s0] =	ssyncadd.tile.s32 @!p0 $0x1;
	_ =	shalt  }
.Lfunc_end2:
_tile_overlayer_lowered:
.L_overlay_start_2:
0x70: {  	(tag) =	ssettag $0x2  }
0x71: {  	s0 =	rddreg [dreg:$0x0];
	s2 =	stileid.u32  }
0x72: {  	s1 =	rddreg [dreg:$0x1];
	p0 =	sne.s32 s2, $0x0  }
0x73: {  	s3 =	rddreg [dreg:$0x2];
	[bflag:$0x3] =	sbarrier.arrive $0xFFFF;
	s2 =	simm.s32 @!p0 $0x1C01  }
0x74: {  	[timem:s3], [sflag:s2] =	dma.local @!p0 [hbm:s0], s1  }
0x75: {  	s0 =	simm.s32 @!p0 $0x1  }
0x76: {  	_ =	swait.ge @!p0 [sflag:s0], s1  }
0x77: {  	s1 =	ssub.s32 @!p0 $0x0, s1;
	[sflag:s0] =	ssyncset.done @!p0 $0x0  }
0x78: {  	[sflag:s0] =	ssyncadd.s32 @!p0 s1  }
0x79: {  	[bflag:$0x3] =	sbarrier.arrive $0xFFFF  }
0x7a: {  	_ =	shalt  }

// kernel: sparse-core-data-format-call.cloned.1.call-start
scs
called_computation_lowered:
.L_overlay_start_0:
0x0: {  	s1 =	sld [smem:$0x3FD9]  }
0x1: {  	s2 =	sld [smem:$0x3FFE];
	_ =	sdelay $0x1  }
0x2: {  	s3 =	srdreg.scid  }
0x3: {  	s0 =	sand.u32 $0x1, s3  }
0x4: {  	s17 =	sshll.u32 s0, $0xA;
	s1 =	sadd.s32 s2, s1  }
0x5: {  	s1 =	sadd.s32 s1, s17  }
0x6: {  	[smem:$0x3FC1] =	sst s1  }
0x7: {  	_ = 	snop  }
0x8: {  	(tm) =	ssettm $0x1  }
0x9: {  	s18 =	sld [smem:$0x3FFB];
	_ =	sdelay $0x3  }
0xa: {  	_ =	strace s18  }
0xb: {  	s1 =	sld [smem:$0x3FFC];
	_ =	sdelay $0x3  }
0xc: {  	_ =	strace s1  }
0xd: {  	s1 =	sld [smem:$0x3FFD];
	_ =	sdelay $0x3  }
0xe: {  	_ =	strace s1  }
0xf: {  	_ =	strace $0x8FFFFFFF  }
0x10: {  	s19 =	sld [smem:$0x3FDB];
	_ =	sdelay $0x1  }
0x11: {  	s20 =	simm.s32 $_scs_section_size  }
0x12: {  	s4 =	simm.s32 $_size__tile_overlayer_lowered;
	s5 =	simm.s32 $_tile_overlayer_lowered  }
0x13: {  	s23 =	simm.s32 $0x1BFF;
	s22 =	sshll.u32 s5, $0x1;
	s1 =	sadd.s32 s20, s19  }
0x14: {  	s6 =	simm.s32 $0x0;
	s21 =	sshll.u32 s4, $0x1;
	s4 =	sadd.s32 s22, s1  }
0x15: {  	[timem:s6], [sflag:s23] =	dma.local [hbm:s4], s21  }
0x16: {  	_ =	swait.ge [sflag:s23], s21  }
0x17: {  	s2 =	ssub.s32 $0x0, s21;
	[sflag:s23] =	ssyncset.done $0x0  }
0x18: {  	[sflag:s23] =	ssyncadd.s32 s2;
	_ =	sdelay $0x1  }
0x19: {  	s24 =	simm.s32 $0x1B8B  }
0x1a: {  	_ =	swait.ge [sflag:s24], $0x1  }
0x1b: {  	[sflag:s24] =	ssyncset.done $0x0  }
0x1c: {  	s26 =	simm.s32 $0x1B8E;
	s25 =	sld [smem:$0x3FFE];
	[sflag:s24] =	ssyncadd.s32 $0xFFFFFFFF  }
0x1d: {  	s27 =	simm.s32 $execute0_lowered;
	[smem:$0x3FD2] =	sst s26  }
0x1e: {  	s4 =	sshll.u32 s27, $0x1;
	_ =	strace $0x80000046;
	[dreg:$0x1] =	wrdreg $0xFFFFFFFF  }
0x1f: {  	s28 =	simm.s32 $_size_execute0_lowered;
	s1 =	sadd.s32 s1, s4;
	[dreg:$0x0] =	wrdreg $0x0  }
0x20: {  	s4 =	sshll.u32 s28, $0x1;
	[dreg:$0x2] =	wrdreg s1  }
0x21: {  	[dreg:$0x3] =	wrdreg s4  }
0x22: {  	[dreg:$0x4] =	wrdreg $0xC0  }
0x23: {  	_ =	task [dreg:s6], $0x5FFFF  }
0x24: {  	[dreg:$0x1] =	wrdreg $0xFFFFFFFF  }
0x25: {  	[dreg:$0x0] =	wrdreg $0x60  }
0x26: {  	[dreg:$0x2] =	wrdreg s25  }
0x27: {  	[dreg:$0x3] =	wrdreg $0x9  }
0x28: {  	_ =	task.clear_ibuf [dreg:s6], $0x4FFFF;
	_ =	strace $0x90000046  }
0x29: {  	s29 =	simm.s32 $0x9;
	_ =	strace $0x80000048  }
0x2a: {  	_ =	swait.ge [sflag:s29], $0x1  }
0x2b: {  	[sflag:s29] =	ssyncadd.s32 $0xFFFFFFFF  }
0x2c: {  	_ =	strace $0x90000048  }
0x2d: {  	_ =	sfence  }
0x2e: {  	s30 =	sld [smem:$0x0];
	_ =	sdelay $0x2  }
0x2f: {  	s31 =	sshll.u32 s3, $0xD;
	s3 =	sshrl.u32 s3, $0x2  }
0x30: {  	s2 =	sand.u32 $0x4000, s31;
	s1 =	sadd.s32 s3, s30  }
0x31: {  	s0 =	sor.u32 s2, s0;
	s1 =	sshll.u32 s1, $0x11  }
0x32: {  	s0 =	sor.u32 s1, s0  }
0x33: {  	s0 =	sadd.s32 $0x8F2B, s0  }
0x34: {  	[sflag:s0] =	ssyncadd.remote.s32 $0x1  }
0x35: {  	_ =	sfence.sel $0xFFFF  }
0x36: {  	[dreg:$0x0] =	wrdreg $0xFFFFFFFF;
	(pc) =	sbr.abs _section_cstart, $3  }
0x37: {  	[dreg:$0x1] =	wrdreg $0xFFFFFFFF  }
0x38: {  	_ =	task.clear_ibuf [dreg:s6], $0x2FFFF;
	_ =	strace $0x9FFFFFFF  }
0x39: {  	(tm) =	ssettm $0x7FFFFFFF  }
tec
execute0_lowered:
.L_overlay_start_1:
0x0: {  	(tag) =	ssettag $0x1  }
0x1: {  	s1 =	rddreg [dreg:$0x0]  }
0x2: {  	s0 =	rddreg [dreg:$0x1]  }
0x3: {  	s3 =	srdreg.scid;
	_ =	strace $0x80000047;
	s5 =	simm.s32 $0x1  }
0x4: {  	s6 =	simm.s32 $0x3E;
	s7 =	simm.s32 $0x2;
	s13 =	simm.s32 $0x0  }
0x5: {  	s8 =	simm.s32 $0x800;
	s9 =	simm.s32 $0x3D800;
	s14 =	simm.s32 $0x0  }
.Ltmp0:
0x6: {  	s11 =	stileid.u32;
	s4 =	sshll.u32 s3, $0x4;
	(pc) =	sbr.rel .LBB1_1-.Ltmp0, $4  }
0x7: {  	s12 =	simm.s32 $0x0;
	s2 =	sadd.s32 $0xF42400, s1;
	s4 =	sand.u32 $0x10, s4  }
0x8: {  	s3 =	sadd.s32 $0x3D800, s1;
	[sflag:s5] =	ssyncpa.u1 $0x0;
	p0 =	seq.s32 s4, $0x0  }
0x9: {  	s1 =	stileid.u32;
	[sflag:s7] =	ssyncpa.u1 $0x0;
	s6 =	simm.s32 @!p0 $0x3D  }
0xa: {  	s10 =	smov.u32 s4;
	p0 =	por $0x0, $0x0;
	s7 =	sadd.s32 $0x1, s6  }
.LBB1_7:
0xb: {  	s15 =	sadd.s32 $0x20, s10  }
0xc: {  	s13 =	sadd.s32 $0x10, s11;
	s17 =	smov.u32 s11;
	p2 =	sgt.s32 s15, $0x7AF  }
0xd: {  	s17 =	smov.u32 @p2 s13  }
0xe: {  	s15 =	smov.u32 @p2 s4;
	p2 =	sgt.s32 s17, $0xF  }
0xf: {  	s17 =	smov.u32 @p2 s1;
	p2 =	sne.s32 s12, s7  }
.Ltmp1:
0x10: {  	p1 =	slt.u32 s12, $0x2;
	(pc) =	sbr.rel @!p2 .LBB1_8-.Ltmp1, $4  }
0x11: {  	s16 =	simm.s32 @!p1 $0x2  }
0x12: {  	s14 =	smov.u32 s11;
	p0 =	por !p0, !p0;
	_ =	swait.ge @!p1 [sflag:s16], $0x4000  }
0x13: {  	s13 =	smov.u32 s10;
	[sflag:s16] =	ssyncset.done @!p1 $0x0;
	s10 =	smov.u32 s15  }
0x14: {  	s12 =	sadd.s32 $0x1, s12;
	[sflag:s16] =	ssyncadd.s32 @!p1 $0xFFFFC000;
	s11 =	smov.u32 s17  }
.LBB1_1:
0x15: {  	p1 =	sge.u32 s12, s6  }
0x16: {  	s15 =	smul.u32 @!p1 $0x3D800, s11  }
0x17: {  	s31 =	sadd.s32 $0xFFFFFFFF, s12;
	s16 =	sxor.u32 @!p1 $0xFFFFFFFF, s12  }
0x18: {  	s17 =	sshll.u32 @!p1 s10, $0x7;
	s16 =	sshll.u32 @!p1 s16, $0xE;
	s15 =	sadd.s32 @!p1 s2, s15  }
0x19: {  	s16 =	sand.u32 @!p1 $0x4000, s16;
	s15 =	sadd.s32 @!p1 s17, s15;
	s17 =	simm.s32 @!p1 $0x0  }
0x1a: {  	[tilespmem:s16], [sflag:$0x1] =	stream.linear.gather @!p1 [hbm4b:s15+s17], $0x4000, $0x38;
	[tilespmem:$0x10000] =	vst v63  }
0x1b: {  	p1 =	sge.u32 s31, s6  }
.Ltmp2:
0x1c: {  	_ = 	snop;
	(pc) =	sbr.rel @p1 .LBB1_7-.Ltmp2, $1  }
0x1d: {  	_ =	sdelay $0x3  }
0x1e: {  	s15 =	simm.s32 $0x1;
	_ =	swait.ge [sflag:s5], $0x4000;
	s18 =	sshll.u32 s12, $0xE  }
0x1f: {  	s15 =	simm.s32 @!p0 $0x0;
	[sflag:s5] =	ssyncset.done $0x0;
	s31 =	sand.u32 $0x4000, s18  }
0x20: {  	s18 =	simm.s32 $0x0;
	s15 =	sshll.u32 s15, $0xE;
	[sflag:s5] =	ssyncadd.s32 $0xFFFFC000  }
0x21: {  	s16 =	sor.u32 $0x8040, s15;
	s17 =	sor.u32 $0x40, s15;
	s15 =	sor.u32 $0x8000, s31  }
.LBB1_3:
0x22: {  	v0 =	vmov s17;
	_ =	sdelay $0x3  }
0x23: {  	s20 =	simm.s32 $0x0  }
0x24: {  	v6 =	vld.idx.msk [tilespmem:v0+s20+$0x30 ss:$0x1], $0xffff  }
0x25: {  	v7 =	vld.idx.msk [tilespmem:v0+s20+$0xFFFFFFC0 ss:$0x1], $0xffff  }
0x26: {  	v5 =	vld.idx.msk [tilespmem:v0+s20+$0xFFFFFFD0 ss:$0x1], $0xffff  }
0x27: {  	v4 =	vld.idx.msk [tilespmem:v0+s20+$0xFFFFFFE0 ss:$0x1], $0xffff  }
0x28: {  	v3 =	vld.idx.msk [tilespmem:v0+s20+$0xFFFFFFF0 ss:$0x1], $0xffff  }
0x29: {  	v1 =	vld.idx.msk [tilespmem:v0+s20+$0x0 ss:$0x1], $0xffff  }
0x2a: {  	v2 =	vld.idx.msk [tilespmem:v0+s20+$0x10 ss:$0x1], $0xffff;
	[tilespmem:s16+$0x30] =	vst v6  }
0x2b: {  	s19 =	simm.s32 $0x80;
	s21 =	simm.s32 $0x400;
	[tilespmem:s16+$0xFFFFFFC0] =	vst v7;
	v6 =	vld.idx.msk [tilespmem:v0+s20+$0x20 ss:$0x1], $0xffff;
	s20 =	smov.u32 s16  }
.LBB1_4:
0x2c: {  	p1 =	sne.s32 s21, $0xE00;
	v7 =	vld.idx.msk [tilespmem:v0+s19+$0x30 ss:$0x1], $0xffff;
	[tilespmem:s20+$0xFFFFFFD0] =	vst v5  }
0x2d: {  	v8 =	vld.idx.msk [tilespmem:v0+s19+$0xFFFFFFC0 ss:$0x1], $0xffff;
	[tilespmem:s20+$0xFFFFFFE0] =	vst v4  }
0x2e: {  	v5 =	vld.idx.msk [tilespmem:v0+s19+$0xFFFFFFD0 ss:$0x1], $0xffff;
	[tilespmem:s20+$0xFFFFFFF0] =	vst v3  }
.Ltmp3:
0x2f: {  	v4 =	vld.idx.msk [tilespmem:v0+s19+$0xFFFFFFE0 ss:$0x1], $0xffff;
	[tilespmem:s20+$0x0] =	vst v1;
	(pc) =	sbr.rel @p1 .LBB1_4-.Ltmp3, $4  }
0x30: {  	v3 =	vld.idx.msk [tilespmem:v0+s19+$0xFFFFFFF0 ss:$0x1], $0xffff;
	[tilespmem:s20+$0x10] =	vst v2  }
0x31: {  	v1 =	vld.idx.msk [tilespmem:v0+s19+$0x0 ss:$0x1], $0xffff;
	[tilespmem:s20+$0x20] =	vst v6;
	s20 =	sadd.s32 $0x800, s20  }
0x32: {  	v2 =	vld.idx.msk [tilespmem:v0+s19+$0x10 ss:$0x1], $0xffff;
	[tilespmem:s20+$0x30] =	vst v7  }
0x33: {  	[tilespmem:s20+$0xFFFFFFC0] =	vst v8;
	v6 =	vld.idx.msk [tilespmem:v0+s19+$0x20 ss:$0x1], $0xffff;
	s19 =	sshra.s32 s21, $0x2;
	s21 =	sadd.s32 $0x200, s21  }
0x34: {  	_ =	sdelay $0x2  }
0x35: {  	[tilespmem:s20+$0xFFFFFFD0] =	vst v5  }
0x36: {  	v56 =	vld.idx.msk [tilespmem:v0+s19+$0x30 ss:$0x1], $0xffff;
	[tilespmem:s20+$0xFFFFFFE0] =	vst v4  }
0x37: {  	v57 =	vld.idx.msk [tilespmem:v0+s19+$0xFFFFFFC0 ss:$0x1], $0xffff;
	[tilespmem:s20+$0xFFFFFFF0] =	vst v3  }
0x38: {  	v58 =	vld.idx.msk [tilespmem:v0+s19+$0xFFFFFFD0 ss:$0x1], $0xffff;
	[tilespmem:s20+$0x0] =	vst v1  }
0x39: {  	v59 =	vld.idx.msk [tilespmem:v0+s19+$0xFFFFFFE0 ss:$0x1], $0xffff;
	[tilespmem:s20+$0x10] =	vst v2  }
0x3a: {  	v60 =	vld.idx.msk [tilespmem:v0+s19+$0xFFFFFFF0 ss:$0x1], $0xffff;
	s31 =	sadd.s32 $0x800, s20;
	[tilespmem:s20+$0x20] =	vst v6  }
0x3b: {  	v61 =	vld.idx.msk [tilespmem:v0+s19+$0x0 ss:$0x1], $0xffff;
	[tilespmem:s31+$0x30] =	vst v56  }
0x3c: {  	v62 =	vld.idx.msk [tilespmem:v0+s19+$0x10 ss:$0x1], $0xffff;
	s18 =	sadd.s32 $0x1, s18;
	[tilespmem:s31+$0xFFFFFFC0] =	vst v57  }
0x3d: {  	v63 =	vld.idx.msk [tilespmem:v0+s19+$0x20 ss:$0x1], $0xffff;
	p1 =	sne.s32 s18, $0x10;
	[tilespmem:s31+$0xFFFFFFD0] =	vst v58  }
.Ltmp4:
0x3e: {  	[tilespmem:s31+$0xFFFFFFE0] =	vst v59;
	(pc) =	sbr.rel @p1 .LBB1_3-.Ltmp4, $4  }
0x3f: {  	[tilespmem:s31+$0xFFFFFFF0] =	vst v60  }
0x40: {  	[tilespmem:s31+$0x0] =	vst v61  }
0x41: {  	[tilespmem:s31+$0x10] =	vst v62  }
0x42: {  	s16 =	sadd.s32 $0x80, s16;
	s17 =	sadd.s32 $0x400, s17;
	[tilespmem:s31+$0x20] =	vst v63  }
0x43: {  	s13 =	sand.u32 $0x1FFFFFF, s13  }
0x44: {  	s16 =	smulhi.u32 $0x10A6811, s13;
	_ =	sdelay $0x1  }
0x45: {  	s14 =	smul.u32 $0x3D800, s14;
	s16 =	sshrl.u32 s16, $0x3  }
0x46: {  	s16 =	smul.u32 $0x7B0, s16  }
.Ltmp5:
0x47: {  	_ = 	snop;
	(pc) =	sbr.rel .LBB1_7-.Ltmp5, $4  }
0x48: {  	s13 =	ssub.s32 s13, s16  }
0x49: {  	s14 =	sadd.s32 s3, s14;
	s13 =	sshll.u32 s13, $0x4  }
0x4a: {  	s13 =	sadd.s32 s13, s14  }
0x4b: {  	[hbm4b:s13+s8] =	stream.strided.scatter [tilespmem:s15], [sflag:$0x2], $0x4000, s9, s8, $0x38;
	[tilespmem:$0x10000] =	vst v63  }
.LBB1_8:
0x4c: {  	_ =	sfence.sel $0x180000  }
0x4d: {  	s2 =	simm.s32 $0x1;
	[bflag:$0x0] =	sbarrier.arrive $0xFFFF  }
0x4e: {  	s31 =	simm.s32 $0x2;
	[sflag:s2] =	ssyncpa.u1 $0x1  }
0x4f: {  	[sflag:s31] =	ssyncpa.u1 $0x1  }
0x50: {  	p0 =	sne.s32 s1, $0x0;
	_ =	strace $0x90000047  }
0x51: {  	s0 =	sadd.s32 @!p0 $0x100000, s0;
	[bflag:$0x2] =	sbarrier.arrive $0xFFFF  }
0x52: {  	[sflag:s0] =	ssyncadd.tile.s32 @!p0 $0x1;
	_ =	shalt  }
.Lfunc_end1:
_tile_overlayer_lowered:
.L_overlay_start_2:
0x53: {  	(tag) =	ssettag $0x2  }
0x54: {  	s0 =	rddreg [dreg:$0x0];
	s2 =	stileid.u32  }
0x55: {  	s1 =	rddreg [dreg:$0x1];
	p0 =	sne.s32 s2, $0x0  }
0x56: {  	s3 =	rddreg [dreg:$0x2];
	[bflag:$0x3] =	sbarrier.arrive $0xFFFF;
	s2 =	simm.s32 @!p0 $0x1C01  }
0x57: {  	[timem:s3], [sflag:s2] =	dma.local @!p0 [hbm:s0], s1  }
0x58: {  	s0 =	simm.s32 @!p0 $0x1  }
0x59: {  	_ =	swait.ge @!p0 [sflag:s0], s1  }
0x5a: {  	s1 =	ssub.s32 @!p0 $0x0, s1;
	[sflag:s0] =	ssyncset.done @!p0 $0x0  }
0x5b: {  	[sflag:s0] =	ssyncadd.s32 @!p0 s1  }
0x5c: {  	[bflag:$0x3] =	sbarrier.arrive $0xFFFF  }
0x5d: {  	_ =	shalt  }

</sc_bundles>
